<compile_context>
chip_gen: v7x
topology: tpu7x:2x2x1
jax: 0.10.2.dev20260603
libtpu: 0.0.44.dev20260713+nightly
codegen_flags: <defaults>
</compile_context>

<pallas_src>
import jax
import jax.numpy as jnp
from jax import lax
from jax.experimental import pallas as pl
from jax.experimental.pallas import tpu as pltpu
from jax.experimental.pallas import tpu_sc as plsc

B = 4
NH, NW = 96, 320
RATIO = 4
H, W = NH * RATIO, NW * RATIO
IMG = B * NH * NW
CONF_THRES = 0.2

NUM_TILES = 32
CHUNK = 12544
PN = NUM_TILES * CHUNK
NCH = CHUNK // 128
ZSPAN = 7696
IMG_PAD = 16 * ZSPAN
DUMP = IMG


def _sc_scatter_body(xs_hbm, ys_hbm, pr_hbm, bt_hbm, out_hbm,
                     xs_v, ys_v, pr_v, bt_v, idx_v, val_v, img_sh):
    c = lax.axis_index("c")
    s = lax.axis_index("s")
    chunk_id = c * 16 + s
    base = chunk_id * CHUNK

    zeros16 = jnp.zeros((16,), jnp.float32)

    def zbody(i, carry):
        xs_v[pl.ds(i * 16, 16)] = zeros16
        return carry

    lax.fori_loop(0, ZSPAN // 16, zbody, 0)
    pltpu.sync_copy(xs_v.at[pl.ds(0, ZSPAN)], img_sh.at[pl.ds(s * ZSPAN, ZSPAN)])
    plsc.subcore_barrier()

    pltpu.sync_copy(xs_hbm.at[pl.ds(base, CHUNK)], xs_v)
    pltpu.sync_copy(ys_hbm.at[pl.ds(base, CHUNK)], ys_v)
    pltpu.sync_copy(pr_hbm.at[pl.ds(base, CHUNK)], pr_v)
    pltpu.sync_copy(bt_hbm.at[pl.ds(base, CHUNK)], bt_v)

    w_f = jnp.float32(W)
    h_f = jnp.float32(H)
    nw_f = jnp.float32(NW)
    nh_f = jnp.float32(NH)

    def cbody(j, carry):
        for k in range(8):
            o = j * 128 + k * 16
            x = xs_v[pl.ds(o, 16)]
            y = ys_v[pl.ds(o, 16)]
            p = pr_v[pl.ds(o, 16)]
            b = bt_v[pl.ds(o, 16)]
            nx = x / w_f
            ny = y / h_f
            valid = (nx >= 0.0) & (nx < 1.0) & (ny >= 0.0) & (ny < 1.0)
            ix = (nx * nw_f).astype(jnp.int32)
            iy = (ny * nh_f).astype(jnp.int32)
            flat = b * (NH * NW) + iy * NW + ix
            flat = jnp.where(valid, flat, DUMP)
            val = 1.0 / (1.0 + jnp.exp(-p))
            idx_v[j, pl.ds(k * 16, 16)] = flat
            val_v[j, pl.ds(k * 16, 16)] = val
        return carry

    lax.fori_loop(0, NCH, cbody, 0)

    def sbody(j, carry):
        pltpu.sync_copy(val_v.at[j], img_sh.at[idx_v.at[j]])
        return carry

    for r in range(16):
        @pl.when(s == r)
        def _():
            lax.fori_loop(0, NCH, sbody, 0)

        plsc.subcore_barrier()

    @pl.when(s == 0)
    def _():
        pltpu.sync_copy(img_sh.at[pl.ds(0, IMG)], out_hbm.at[c])


@jax.jit
def _sc_scatter(xs, ys, pr, bt):
    mesh = plsc.VectorSubcoreMesh(core_axis_name="c", subcore_axis_name="s")
    fn = pl.kernel(
        _sc_scatter_body,
        out_type=jax.ShapeDtypeStruct((2, IMG), jnp.float32),
        mesh=mesh,
        scratch_types=[
            pltpu.VMEM((CHUNK,), jnp.float32),
            pltpu.VMEM((CHUNK,), jnp.float32),
            pltpu.VMEM((CHUNK,), jnp.float32),
            pltpu.VMEM((CHUNK,), jnp.int32),
            pltpu.VMEM((NCH, 128), jnp.int32),
            pltpu.VMEM((NCH, 128), jnp.float32),
            pltpu.VMEM_SHARED((IMG_PAD,), jnp.float32),
        ],
    )
    return fn(xs, ys, pr, bt)


def _bce(p, t):
    logp = jnp.clip(jnp.log(p), -100.0)
    log1mp = jnp.clip(jnp.log(1.0 - p), -100.0)
    return -(t * logp + (1.0 - t) * log1mp)


def _loss_body(img0_ref, img1_ref, lg_ref, out_ref):
    i0 = img0_ref[...]
    i1 = img1_ref[...]
    lg = lg_ref[...]
    proj = jnp.where(i1 != 0.0, i1, i0)
    aux = jax.nn.sigmoid(lg)
    nz = proj != 0.0
    mask = nz & ((proj > CONF_THRES) | (aux > CONF_THRES))
    cnt = jnp.sum(mask.astype(jnp.float32))
    p = jnp.where(mask, proj, 0.5)
    t = jnp.where(mask, aux, 0.5)
    per_elem = (_bce(p, t) + _bce(t, p)) * 0.5
    total = jnp.sum(jnp.where(mask, per_elem, 0.0))
    out_ref[0, 0] = total / cnt / jnp.float32(B)


@jax.jit
def _tc_loss(img0, img1, lg):
    out = pl.pallas_call(
        _loss_body,
        out_shape=jax.ShapeDtypeStruct((1, 1), jnp.float32),
        out_specs=pl.BlockSpec(memory_space=pltpu.SMEM),
    )(img0, img1, lg)
    return out[0, 0]


def kernel(point_cls_preds, img_seg_logits, voxels_2d, batch_idx):
    n = voxels_2d.shape[0]
    pad = PN - n
    xs = jnp.concatenate([voxels_2d[:, 0], jnp.full((pad,), -1.0, jnp.float32)])
    ys = jnp.concatenate([voxels_2d[:, 1], jnp.full((pad,), -1.0, jnp.float32)])
    pr = jnp.concatenate([point_cls_preds[:, 0], jnp.zeros((pad,), jnp.float32)])
    bt = jnp.concatenate([batch_idx, jnp.zeros((pad,), jnp.int32)])
    imgs = _sc_scatter(xs, ys, pr, bt)
    img0 = imgs[0].reshape(960, 128)
    img1 = imgs[1].reshape(960, 128)
    lg = img_seg_logits.reshape(960, 128)
    return _tc_loss(img0, img1, lg)

# --- scband reference (transcript-rebuilt; emitter-appended) ---
"""Pipeline reference for scband-aux-consistency-loss-66726611910764 (READ-ONLY COPY).

The authoritative reference and input builder live on the scoring server;
editing this copy changes nothing except your own understanding.
"""

import jax, jax.numpy as jnp
import numpy as np

B = 4
NH, NW = 96, 320
RATIO = 4
H, W = NH * RATIO, NW * RATIO
N_PTS = 400000
CONF_THRES = 0.2


def _bce(p, t):
    # F.binary_cross_entropy with log clamped to -100 (torch semantics)
    logp = jnp.clip(jnp.log(p), -100.0)
    log1mp = jnp.clip(jnp.log(1.0 - p), -100.0)
    return -(t * logp + (1.0 - t) * log1mp)


def setup_inputs(seed: int = 0) -> dict:
    key = jax.random.key(seed)
    k1, k2, k3, k4 = jax.random.split(key, 4)
    point_cls_preds = jax.random.normal(k1, (N_PTS, 1), dtype=jnp.float32)
    img_seg_logits = jax.random.normal(k2, (B, 1, NH, NW), dtype=jnp.float32)
    # pixel coords, slightly padded beyond image bounds so the in-bounds filter matters
    u = jax.random.uniform(k3, (N_PTS, 2), dtype=jnp.float32)
    scale = jnp.array([W * 1.1, H * 1.1], dtype=jnp.float32)
    offset = jnp.array([W * 0.05, H * 0.05], dtype=jnp.float32)
    voxels_2d = u * scale - offset
    batch_idx = jax.random.randint(k4, (N_PTS,), 0, B, dtype=jnp.int32)
    return {
        "point_cls_preds": point_cls_preds,
        "img_seg_logits": img_seg_logits,
        "voxels_2d": voxels_2d,
        "batch_idx": batch_idx,
    }


def reference(point_cls_preds, img_seg_logits, voxels_2d, batch_idx):
    b, _, nh, nw = img_seg_logits.shape
    h, w = nh * RATIO, nw * RATIO
    # normalize projected coords by full image size
    norm = voxels_2d / jnp.array([w, h], dtype=jnp.float32)
    valid = (norm[:, 0] >= 0) & (norm[:, 0] < 1) & (norm[:, 1] >= 0) & (norm[:, 1] < 1)
    proj = norm * jnp.array([nw, nh], dtype=jnp.float32)
    ix = proj[:, 0].astype(jnp.int32)
    iy = proj[:, 1].astype(jnp.int32)
    ix = jnp.where(valid, ix, -1)
    iy = jnp.where(valid, iy, -1)
    vals = jax.nn.sigmoid(point_cls_preds.squeeze(-1))
    # scatter-overwrite point predictions into projected image (invalid dropped)
    proj_img = jnp.zeros((b, nh, nw), dtype=jnp.float32).at[batch_idx, iy, ix].set(vals, mode="drop")
    aux_img = jax.nn.sigmoid(img_seg_logits[:, 0])
    # nonzero gather + confidence mask (kept dense/jit-safe)
    nz = proj_img != 0.0
    mask = nz & ((proj_img > CONF_THRES) | (aux_img > CONF_THRES))
    cnt = jnp.sum(mask).astype(jnp.float32)
    p = jnp.where(mask, proj_img, 0.5)
    t = jnp.where(mask, aux_img, 0.5)
    l1 = _bce(p, jax.lax.stop_gradient(t))
    l2 = _bce(t, jax.lax.stop_gradient(p))
    per_elem = (l1 + l2) * 0.5
    consistency_loss = jnp.sum(jnp.where(mask, per_elem, 0.0)) / cnt / b
    return consistency_loss

if __name__ == "__main__":
    import jax
    _d = setup_inputs()
    print(jax.jit(kernel)(*tuple(_d.values())))

</pallas_src>

<mosaic_0001>
#map = affine_map<(d0, d1) -> (0)>
#map1 = affine_map<(d0, d1) -> (0, 0)>
module attributes {stable_mosaic.version = 14 : i64} {
  func.func @_sc_scatter_body(%arg0: i32, %arg1: i32, %arg2: memref<401408xf32, #tpu.memory_space<hbm>>, %arg3: memref<401408xf32, #tpu.memory_space<hbm>>, %arg4: memref<401408xf32, #tpu.memory_space<hbm>>, %arg5: memref<401408xi32, #tpu.memory_space<hbm>>, %arg6: memref<2x122880xf32, #tpu.memory_space<hbm>>, %arg7: memref<12544xf32, #tpu.memory_space<vmem>>, %arg8: memref<12544xf32, #tpu.memory_space<vmem>>, %arg9: memref<12544xf32, #tpu.memory_space<vmem>>, %arg10: memref<12544xi32, #tpu.memory_space<vmem>>, %arg11: memref<98x128xi32, #tpu.memory_space<vmem>>, %arg12: memref<98x128xf32, #tpu.memory_space<vmem>>, %arg13: memref<123136xf32, #tpu.memory_space<vmem_shared>>) attributes {dimension_semantics = [#tpu.dimension_semantics<core_parallel>, #tpu.dimension_semantics<subcore_parallel>], iteration_bounds = array<i64: 2, 16>, scalar_prefetch = 0 : i64, scratch_operands = 7 : i64, tpu.core_type = #tpu.core_type<sc_vector_subcore>, window_params = [{transform_indices = #map}, {transform_indices = #map}, {transform_indices = #map}, {transform_indices = #map}, {transform_indices = #map1}]} {
    %mul3A = arith.constant 16 : i32
    %mul3A_0 = arith.muli %arg0, %mul3A : i32
    %add3A = arith.addi %mul3A_0, %arg1 : i32
    %mul3A_1 = arith.constant 12544 : i32
    %mul3A_2 = arith.muli %add3A, %mul3A_1 : i32
    %broadcast_in_dim3A = arith.constant 0.000000e+00 : f32
    %broadcast_in_dim3A_3 = vector.broadcast %broadcast_in_dim3A : f32 to vector<16xf32>
    %scan3A = arith.constant 0 : i32
    %scan3A_4 = arith.constant 0 : i32
    %scan3A_5 = arith.constant 481 : i32
    %scan3A_6 = arith.addi %scan3A_4, %scan3A_5 : i32
    %scan3A_7 = arith.constant 1 : i32
    scf.for %scan3A_119 = %scan3A_4 to %scan3A_6 step %scan3A_7  : i32 {
      %mul3A_120 = arith.constant 16 : i32
      %mul3A_121 = arith.muli %scan3A_119, %mul3A_120 : i32
      %swap3A = arith.index_cast %mul3A_121 : i32 to index
      %swap3A_122 = tpu.vector_load %arg7[%swap3A] {strides = array<i32>} : memref<12544xf32, #tpu.memory_space<vmem>>, vector<16xf32>,
      %swap3A_123 = vector.shape_cast %swap3A_122 : vector<16xf32> to vector<16xf32>
      %swap3A_124 = vector.shape_cast %broadcast_in_dim3A_3 : vector<16xf32> to vector<16xf32>
      tpu.vector_store %arg7[%swap3A], %swap3A_124 {strides = array<i32>} : memref<12544xf32, #tpu.memory_space<vmem>>, vector<16xf32>,
    }
    %scan3A_8 = arith.constant 481 : i32
    %mul3A_9 = arith.constant 7696 : i32
    %mul3A_10 = arith.muli %arg1, %mul3A_9 : i32
    "tpu.region"() ({
      %run_scoped3A = tpu.sem_alloc : memref<!tpu.dma_semaphore, #tpu.memory_space<semaphore_mem>>
      %dma_start3A = arith.constant 0 : i32
      %dma_start3A_119 = tpu.memref_slice %arg7[%dma_start3A] : memref<12544xf32, #tpu.memory_space<vmem>> -> memref<7696xf32, #tpu.memory_space<vmem>>
      %dma_start3A_120 = tpu.memref_slice %arg13[%mul3A_10] : memref<123136xf32, #tpu.memory_space<vmem_shared>> -> memref<7696xf32, #tpu.memory_space<vmem_shared>>
      %dma_start3A_121 = tpu.memref_slice %arg13[%mul3A_10] : memref<123136xf32, #tpu.memory_space<vmem_shared>> -> memref<7696xf32, #tpu.memory_space<vmem_shared>>
      %dma_start3A_122 = arith.constant 0 : i32
      %dma_start3A_123 = tpu.memref_slice %arg7[%dma_start3A_122] : memref<12544xf32, #tpu.memory_space<vmem>> -> memref<7696xf32, #tpu.memory_space<vmem>>
      tpu.enqueue_dma source(%dma_start3A_123 : memref<7696xf32, #tpu.memory_space<vmem>>) target(%dma_start3A_121 : memref<7696xf32, #tpu.memory_space<vmem_shared>>) target_semaphore(%run_scoped3A : memref<!tpu.dma_semaphore, #tpu.memory_space<semaphore_mem>>)
      %dma_wait3A = arith.constant 0 : i32
      %dma_wait3A_124 = tpu.memref_slice %arg7[%dma_wait3A] : memref<12544xf32, #tpu.memory_space<vmem>> -> memref<7696xf32, #tpu.memory_space<vmem>>
      %dma_wait3A_125 = tpu.memref_slice %arg13[%mul3A_10] : memref<123136xf32, #tpu.memory_space<vmem_shared>> -> memref<7696xf32, #tpu.memory_space<vmem_shared>>
      %dma_wait3A_126 = tpu.memref_slice %arg13[%mul3A_10] : memref<123136xf32, #tpu.memory_space<vmem_shared>> -> memref<7696xf32, #tpu.memory_space<vmem_shared>>
      %dma_wait3A_127 = arith.constant 0 : i32
      %dma_wait3A_128 = tpu.memref_slice %arg7[%dma_wait3A_127] : memref<12544xf32, #tpu.memory_space<vmem>> -> memref<7696xf32, #tpu.memory_space<vmem>>
      tpu.wait_dma2 semaphore(%run_scoped3A : memref<!tpu.dma_semaphore, #tpu.memory_space<semaphore_mem>>) src(%dma_wait3A_128 : memref<7696xf32, #tpu.memory_space<vmem>>) dst(%dma_wait3A_126 : memref<7696xf32, #tpu.memory_space<vmem_shared>>)
      tpu.yield
    }) : () -> ()
    %barrier3A = arith.constant 0 : index
    tpu.barrier barrier_id(%barrier3A)
    "tpu.region"() ({
      %run_scoped3A = tpu.sem_alloc : memref<!tpu.dma_semaphore, #tpu.memory_space<semaphore_mem>>
      %dma_start3A = tpu.memref_slice %arg2[%mul3A_2] : memref<401408xf32, #tpu.memory_space<hbm>> -> memref<12544xf32, #tpu.memory_space<hbm>>
      %dma_start3A_119 = tpu.memref_slice %arg2[%mul3A_2] : memref<401408xf32, #tpu.memory_space<hbm>> -> memref<12544xf32, #tpu.memory_space<hbm>>
      tpu.enqueue_dma source(%dma_start3A_119 : memref<12544xf32, #tpu.memory_space<hbm>>) target(%arg7 : memref<12544xf32, #tpu.memory_space<vmem>>) target_semaphore(%run_scoped3A : memref<!tpu.dma_semaphore, #tpu.memory_space<semaphore_mem>>)
      %dma_wait3A = tpu.memref_slice %arg2[%mul3A_2] : memref<401408xf32, #tpu.memory_space<hbm>> -> memref<12544xf32, #tpu.memory_space<hbm>>
      %dma_wait3A_120 = tpu.memref_slice %arg2[%mul3A_2] : memref<401408xf32, #tpu.memory_space<hbm>> -> memref<12544xf32, #tpu.memory_space<hbm>>
      tpu.wait_dma2 semaphore(%run_scoped3A : memref<!tpu.dma_semaphore, #tpu.memory_space<semaphore_mem>>) src(%dma_wait3A_120 : memref<12544xf32, #tpu.memory_space<hbm>>) dst(%arg7 : memref<12544xf32, #tpu.memory_space<vmem>>)
      tpu.yield
    }) : () -> ()
    "tpu.region"() ({
      %run_scoped3A = tpu.sem_alloc : memref<!tpu.dma_semaphore, #tpu.memory_space<semaphore_mem>>
      %dma_start3A = tpu.memref_slice %arg3[%mul3A_2] : memref<401408xf32, #tpu.memory_space<hbm>> -> memref<12544xf32, #tpu.memory_space<hbm>>
      %dma_start3A_119 = tpu.memref_slice %arg3[%mul3A_2] : memref<401408xf32, #tpu.memory_space<hbm>> -> memref<12544xf32, #tpu.memory_space<hbm>>
      tpu.enqueue_dma source(%dma_start3A_119 : memref<12544xf32, #tpu.memory_space<hbm>>) target(%arg8 : memref<12544xf32, #tpu.memory_space<vmem>>) target_semaphore(%run_scoped3A : memref<!tpu.dma_semaphore, #tpu.memory_space<semaphore_mem>>)
      %dma_wait3A = tpu.memref_slice %arg3[%mul3A_2] : memref<401408xf32, #tpu.memory_space<hbm>> -> memref<12544xf32, #tpu.memory_space<hbm>>
      %dma_wait3A_120 = tpu.memref_slice %arg3[%mul3A_2] : memref<401408xf32, #tpu.memory_space<hbm>> -> memref<12544xf32, #tpu.memory_space<hbm>>
      tpu.wait_dma2 semaphore(%run_scoped3A : memref<!tpu.dma_semaphore, #tpu.memory_space<semaphore_mem>>) src(%dma_wait3A_120 : memref<12544xf32, #tpu.memory_space<hbm>>) dst(%arg8 : memref<12544xf32, #tpu.memory_space<vmem>>)
      tpu.yield
    }) : () -> ()
    "tpu.region"() ({
      %run_scoped3A = tpu.sem_alloc : memref<!tpu.dma_semaphore, #tpu.memory_space<semaphore_mem>>
      %dma_start3A = tpu.memref_slice %arg4[%mul3A_2] : memref<401408xf32, #tpu.memory_space<hbm>> -> memref<12544xf32, #tpu.memory_space<hbm>>
      %dma_start3A_119 = tpu.memref_slice %arg4[%mul3A_2] : memref<401408xf32, #tpu.memory_space<hbm>> -> memref<12544xf32, #tpu.memory_space<hbm>>
      tpu.enqueue_dma source(%dma_start3A_119 : memref<12544xf32, #tpu.memory_space<hbm>>) target(%arg9 : memref<12544xf32, #tpu.memory_space<vmem>>) target_semaphore(%run_scoped3A : memref<!tpu.dma_semaphore, #tpu.memory_space<semaphore_mem>>)
      %dma_wait3A = tpu.memref_slice %arg4[%mul3A_2] : memref<401408xf32, #tpu.memory_space<hbm>> -> memref<12544xf32, #tpu.memory_space<hbm>>
      %dma_wait3A_120 = tpu.memref_slice %arg4[%mul3A_2] : memref<401408xf32, #tpu.memory_space<hbm>> -> memref<12544xf32, #tpu.memory_space<hbm>>
      tpu.wait_dma2 semaphore(%run_scoped3A : memref<!tpu.dma_semaphore, #tpu.memory_space<semaphore_mem>>) src(%dma_wait3A_120 : memref<12544xf32, #tpu.memory_space<hbm>>) dst(%arg9 : memref<12544xf32, #tpu.memory_space<vmem>>)
      tpu.yield
    }) : () -> ()
    "tpu.region"() ({
      %run_scoped3A = tpu.sem_alloc : memref<!tpu.dma_semaphore, #tpu.memory_space<semaphore_mem>>
      %dma_start3A = tpu.memref_slice %arg5[%mul3A_2] : memref<401408xi32, #tpu.memory_space<hbm>> -> memref<12544xi32, #tpu.memory_space<hbm>>
      %dma_start3A_119 = tpu.memref_slice %arg5[%mul3A_2] : memref<401408xi32, #tpu.memory_space<hbm>> -> memref<12544xi32, #tpu.memory_space<hbm>>
      tpu.enqueue_dma source(%dma_start3A_119 : memref<12544xi32, #tpu.memory_space<hbm>>) target(%arg10 : memref<12544xi32, #tpu.memory_space<vmem>>) target_semaphore(%run_scoped3A : memref<!tpu.dma_semaphore, #tpu.memory_space<semaphore_mem>>)
      %dma_wait3A = tpu.memref_slice %arg5[%mul3A_2] : memref<401408xi32, #tpu.memory_space<hbm>> -> memref<12544xi32, #tpu.memory_space<hbm>>
      %dma_wait3A_120 = tpu.memref_slice %arg5[%mul3A_2] : memref<401408xi32, #tpu.memory_space<hbm>> -> memref<12544xi32, #tpu.memory_space<hbm>>
      tpu.wait_dma2 semaphore(%run_scoped3A : memref<!tpu.dma_semaphore, #tpu.memory_space<semaphore_mem>>) src(%dma_wait3A_120 : memref<12544xi32, #tpu.memory_space<hbm>>) dst(%arg10 : memref<12544xi32, #tpu.memory_space<vmem>>)
      tpu.yield
    }) : () -> ()
    %scan3A_11 = arith.constant 0 : i32
    %scan3A_12 = arith.constant 1.280000e+03 : f32
    %scan3A_13 = arith.constant 3.840000e+02 : f32
    %scan3A_14 = arith.constant 3.200000e+02 : f32
    %scan3A_15 = arith.constant 9.600000e+01 : f32
    %scan3A_16 = arith.constant 0 : i32
    %scan3A_17 = arith.constant 98 : i32
    %scan3A_18 = arith.addi %scan3A_16, %scan3A_17 : i32
    %scan3A_19 = arith.constant 1 : i32
    scf.for %scan3A_119 = %scan3A_16 to %scan3A_18 step %scan3A_19  : i32 {
      %mul3A_120 = arith.constant 128 : i32
      %mul3A_121 = arith.muli %scan3A_119, %mul3A_120 : i32
      %add3A_122 = arith.constant 0 : i32
      %add3A_123 = arith.addi %mul3A_121, %add3A_122 : i32
      %get3A = arith.index_cast %add3A_123 : i32 to index
      %get3A_124 = tpu.vector_load %arg7[%get3A] {strides = array<i32>} : memref<12544xf32, #tpu.memory_space<vmem>>, vector<16xf32>,
      %get3A_125 = vector.shape_cast %get3A_124 : vector<16xf32> to vector<16xf32>
      %get3A_126 = arith.index_cast %add3A_123 : i32 to index
      %get3A_127 = tpu.vector_load %arg8[%get3A_126] {strides = array<i32>} : memref<12544xf32, #tpu.memory_space<vmem>>, vector<16xf32>,
      %get3A_128 = vector.shape_cast %get3A_127 : vector<16xf32> to vector<16xf32>
      %get3A_129 = arith.index_cast %add3A_123 : i32 to index
      %get3A_130 = tpu.vector_load %arg9[%get3A_129] {strides = array<i32>} : memref<12544xf32, #tpu.memory_space<vmem>>, vector<16xf32>,
      %get3A_131 = vector.shape_cast %get3A_130 : vector<16xf32> to vector<16xf32>
      %get3A_132 = arith.index_cast %add3A_123 : i32 to index
      %get3A_133 = tpu.vector_load %arg10[%get3A_132] {strides = array<i32>} : memref<12544xi32, #tpu.memory_space<vmem>>, vector<16xi32>,
      %get3A_134 = vector.shape_cast %get3A_133 : vector<16xi32> to vector<16xi32>
      %div3A = vector.broadcast %scan3A_12 : f32 to vector<16xf32>
      %div3A_135 = arith.divf %get3A_125, %div3A : vector<16xf32>
      %div3A_136 = vector.broadcast %scan3A_13 : f32 to vector<16xf32>
      %div3A_137 = arith.divf %get3A_128, %div3A_136 : vector<16xf32>
      %ge3A = arith.constant 0.000000e+00 : f32
      %ge3A_138 = vector.broadcast %ge3A : f32 to vector<16xf32>
      %ge3A_139 = arith.cmpf oge, %div3A_135, %ge3A_138 : vector<16xf32>
      %lt3A = arith.constant 1.000000e+00 : f32
      %lt3A_140 = vector.broadcast %lt3A : f32 to vector<16xf32>
      %lt3A_141 = arith.cmpf olt, %div3A_135, %lt3A_140 : vector<16xf32>
      %and3A = arith.andi %ge3A_139, %lt3A_141 : vector<16xi1>
      %ge3A_142 = arith.constant 0.000000e+00 : f32
      %ge3A_143 = vector.broadcast %ge3A_142 : f32 to vector<16xf32>
      %ge3A_144 = arith.cmpf oge, %div3A_137, %ge3A_143 : vector<16xf32>
      %and3A_145 = arith.andi %and3A, %ge3A_144 : vector<16xi1>
      %lt3A_146 = arith.constant 1.000000e+00 : f32
      %lt3A_147 = vector.broadcast %lt3A_146 : f32 to vector<16xf32>
      %lt3A_148 = arith.cmpf olt, %div3A_137, %lt3A_147 : vector<16xf32>
      %and3A_149 = arith.andi %and3A_145, %lt3A_148 : vector<16xi1>
      %mul3A_150 = vector.broadcast %scan3A_14 : f32 to vector<16xf32>
      %mul3A_151 = arith.mulf %div3A_135, %mul3A_150 : vector<16xf32>
      %convert_element_type3A_152 = arith.fptosi %mul3A_151 : vector<16xf32> to vector<16xi32>
      %mul3A_153 = vector.broadcast %scan3A_15 : f32 to vector<16xf32>
      %mul3A_154 = arith.mulf %div3A_137, %mul3A_153 : vector<16xf32>
      %convert_element_type3A_155 = arith.fptosi %mul3A_154 : vector<16xf32> to vector<16xi32>
      %mul3A_156 = arith.constant 30720 : i32
      %mul3A_157 = vector.broadcast %mul3A_156 : i32 to vector<16xi32>
      %mul3A_158 = arith.muli %get3A_134, %mul3A_157 : vector<16xi32>
      %mul3A_159 = arith.constant 320 : i32
      %mul3A_160 = vector.broadcast %mul3A_159 : i32 to vector<16xi32>
      %mul3A_161 = arith.muli %convert_element_type3A_155, %mul3A_160 : vector<16xi32>
      %add3A_162 = arith.addi %mul3A_158, %mul3A_161 : vector<16xi32>
      %add3A_163 = arith.addi %add3A_162, %convert_element_type3A_152 : vector<16xi32>
      %jit3A = arith.constant 122880 : i32
      %broadcast_in_dim3A_164 = vector.broadcast %jit3A : i32 to vector<16xi32>
      %select_n3A = arith.select %and3A_149, %add3A_163, %broadcast_in_dim3A_164 : vector<16xi1>, vector<16xi32>
      %neg3A = arith.constant 0.000000e+00 : f32
      %neg3A_165 = vector.broadcast %neg3A : f32 to vector<16xf32>
      %neg3A_166 = arith.subf %neg3A_165, %get3A_131 : vector<16xf32>
      %exp3A = math.exp %neg3A_166 : vector<16xf32>
      %add3A_167 = arith.constant 1.000000e+00 : f32
      %add3A_168 = vector.broadcast %add3A_167 : f32 to vector<16xf32>
      %add3A_169 = arith.addf %add3A_168, %exp3A : vector<16xf32>
      %div3A_170 = arith.constant 1.000000e+00 : f32
      %div3A_171 = vector.broadcast %div3A_170 : f32 to vector<16xf32>
      %div3A_172 = arith.divf %div3A_171, %add3A_169 : vector<16xf32>
      %swap3A = arith.index_cast %scan3A_119 : i32 to index
      %swap3A_173 = arith.constant 0 : index
      %swap3A_174 = tpu.vector_load %arg11[%swap3A, %swap3A_173] {strides = array<i32>} : memref<98x128xi32, #tpu.memory_space<vmem>>, vector<1x16xi32>,
      %swap3A_175 = vector.shape_cast %swap3A_174 : vector<1x16xi32> to vector<16xi32>
      %swap3A_176 = vector.shape_cast %select_n3A : vector<16xi32> to vector<1x16xi32>
      tpu.vector_store %arg11[%swap3A, %swap3A_173], %swap3A_176 {strides = array<i32>} : memref<98x128xi32, #tpu.memory_space<vmem>>, vector<1x16xi32>,
      %swap3A_177 = arith.index_cast %scan3A_119 : i32 to index
      %swap3A_178 = arith.constant 0 : index
      %swap3A_179 = tpu.vector_load %arg12[%swap3A_177, %swap3A_178] {strides = array<i32>} : memref<98x128xf32, #tpu.memory_space<vmem>>, vector<1x16xf32>,
      %swap3A_180 = vector.shape_cast %swap3A_179 : vector<1x16xf32> to vector<16xf32>
      %swap3A_181 = vector.shape_cast %div3A_172 : vector<16xf32> to vector<1x16xf32>
      tpu.vector_store %arg12[%swap3A_177, %swap3A_178], %swap3A_181 {strides = array<i32>} : memref<98x128xf32, #tpu.memory_space<vmem>>, vector<1x16xf32>,
      %mul3A_182 = arith.constant 128 : i32
      %mul3A_183 = arith.muli %scan3A_119, %mul3A_182 : i32
      %add3A_184 = arith.constant 16 : i32
      %add3A_185 = arith.addi %mul3A_183, %add3A_184 : i32
      %get3A_186 = arith.index_cast %add3A_185 : i32 to index
      %get3A_187 = tpu.vector_load %arg7[%get3A_186] {strides = array<i32>} : memref<12544xf32, #tpu.memory_space<vmem>>, vector<16xf32>,
      %get3A_188 = vector.shape_cast %get3A_187 : vector<16xf32> to vector<16xf32>
      %get3A_189 = arith.index_cast %add3A_185 : i32 to index
      %get3A_190 = tpu.vector_load %arg8[%get3A_189] {strides = array<i32>} : memref<12544xf32, #tpu.memory_space<vmem>>, vector<16xf32>,
      %get3A_191 = vector.shape_cast %get3A_190 : vector<16xf32> to vector<16xf32>
      %get3A_192 = arith.index_cast %add3A_185 : i32 to index
      %get3A_193 = tpu.vector_load %arg9[%get3A_192] {strides = array<i32>} : memref<12544xf32, #tpu.memory_space<vmem>>, vector<16xf32>,
      %get3A_194 = vector.shape_cast %get3A_193 : vector<16xf32> to vector<16xf32>
      %get3A_195 = arith.index_cast %add3A_185 : i32 to index
      %get3A_196 = tpu.vector_load %arg10[%get3A_195] {strides = array<i32>} : memref<12544xi32, #tpu.memory_space<vmem>>, vector<16xi32>,
      %get3A_197 = vector.shape_cast %get3A_196 : vector<16xi32> to vector<16xi32>
      %div3A_198 = vector.broadcast %scan3A_12 : f32 to vector<16xf32>
      %div3A_199 = arith.divf %get3A_188, %div3A_198 : vector<16xf32>
      %div3A_200 = vector.broadcast %scan3A_13 : f32 to vector<16xf32>
      %div3A_201 = arith.divf %get3A_191, %div3A_200 : vector<16xf32>
      %ge3A_202 = arith.constant 0.000000e+00 : f32
      %ge3A_203 = vector.broadcast %ge3A_202 : f32 to vector<16xf32>
      %ge3A_204 = arith.cmpf oge, %div3A_199, %ge3A_203 : vector<16xf32>
      %lt3A_205 = arith.constant 1.000000e+00 : f32
      %lt3A_206 = vector.broadcast %lt3A_205 : f32 to vector<16xf32>
      %lt3A_207 = arith.cmpf olt, %div3A_199, %lt3A_206 : vector<16xf32>
      %and3A_208 = arith.andi %ge3A_204, %lt3A_207 : vector<16xi1>
      %ge3A_209 = arith.constant 0.000000e+00 : f32
      %ge3A_210 = vector.broadcast %ge3A_209 : f32 to vector<16xf32>
      %ge3A_211 = arith.cmpf oge, %div3A_201, %ge3A_210 : vector<16xf32>
      %and3A_212 = arith.andi %and3A_208, %ge3A_211 : vector<16xi1>
      %lt3A_213 = arith.constant 1.000000e+00 : f32
      %lt3A_214 = vector.broadcast %lt3A_213 : f32 to vector<16xf32>
      %lt3A_215 = arith.cmpf olt, %div3A_201, %lt3A_214 : vector<16xf32>
      %and3A_216 = arith.andi %and3A_212, %lt3A_215 : vector<16xi1>
      %mul3A_217 = vector.broadcast %scan3A_14 : f32 to vector<16xf32>
      %mul3A_218 = arith.mulf %div3A_199, %mul3A_217 : vector<16xf32>
      %convert_element_type3A_219 = arith.fptosi %mul3A_218 : vector<16xf32> to vector<16xi32>
      %mul3A_220 = vector.broadcast %scan3A_15 : f32 to vector<16xf32>
      %mul3A_221 = arith.mulf %div3A_201, %mul3A_220 : vector<16xf32>
      %convert_element_type3A_222 = arith.fptosi %mul3A_221 : vector<16xf32> to vector<16xi32>
      %mul3A_223 = arith.constant 30720 : i32
      %mul3A_224 = vector.broadcast %mul3A_223 : i32 to vector<16xi32>
      %mul3A_225 = arith.muli %get3A_197, %mul3A_224 : vector<16xi32>
      %mul3A_226 = arith.constant 320 : i32
      %mul3A_227 = vector.broadcast %mul3A_226 : i32 to vector<16xi32>
      %mul3A_228 = arith.muli %convert_element_type3A_222, %mul3A_227 : vector<16xi32>
      %add3A_229 = arith.addi %mul3A_225, %mul3A_228 : vector<16xi32>
      %add3A_230 = arith.addi %add3A_229, %convert_element_type3A_219 : vector<16xi32>
      %jit3A_231 = arith.constant 122880 : i32
      %broadcast_in_dim3A_232 = vector.broadcast %jit3A_231 : i32 to vector<16xi32>
      %select_n3A_233 = arith.select %and3A_216, %add3A_230, %broadcast_in_dim3A_232 : vector<16xi1>, vector<16xi32>
      %neg3A_234 = arith.constant 0.000000e+00 : f32
      %neg3A_235 = vector.broadcast %neg3A_234 : f32 to vector<16xf32>
      %neg3A_236 = arith.subf %neg3A_235, %get3A_194 : vector<16xf32>
      %exp3A_237 = math.exp %neg3A_236 : vector<16xf32>
      %add3A_238 = arith.constant 1.000000e+00 : f32
      %add3A_239 = vector.broadcast %add3A_238 : f32 to vector<16xf32>
      %add3A_240 = arith.addf %add3A_239, %exp3A_237 : vector<16xf32>
      %div3A_241 = arith.constant 1.000000e+00 : f32
      %div3A_242 = vector.broadcast %div3A_241 : f32 to vector<16xf32>
      %div3A_243 = arith.divf %div3A_242, %add3A_240 : vector<16xf32>
      %swap3A_244 = arith.index_cast %scan3A_119 : i32 to index
      %swap3A_245 = arith.constant 16 : index
      %swap3A_246 = tpu.vector_load %arg11[%swap3A_244, %swap3A_245] {strides = array<i32>} : memref<98x128xi32, #tpu.memory_space<vmem>>, vector<1x16xi32>,
      %swap3A_247 = vector.shape_cast %swap3A_246 : vector<1x16xi32> to vector<16xi32>
      %swap3A_248 = vector.shape_cast %select_n3A_233 : vector<16xi32> to vector<1x16xi32>
      tpu.vector_store %arg11[%swap3A_244, %swap3A_245], %swap3A_248 {strides = array<i32>} : memref<98x128xi32, #tpu.memory_space<vmem>>, vector<1x16xi32>,
      %swap3A_249 = arith.index_cast %scan3A_119 : i32 to index
      %swap3A_250 = arith.constant 16 : index
      %swap3A_251 = tpu.vector_load %arg12[%swap3A_249, %swap3A_250] {strides = array<i32>} : memref<98x128xf32, #tpu.memory_space<vmem>>, vector<1x16xf32>,
      %swap3A_252 = vector.shape_cast %swap3A_251 : vector<1x16xf32> to vector<16xf32>
      %swap3A_253 = vector.shape_cast %div3A_243 : vector<16xf32> to vector<1x16xf32>
      tpu.vector_store %arg12[%swap3A_249, %swap3A_250], %swap3A_253 {strides = array<i32>} : memref<98x128xf32, #tpu.memory_space<vmem>>, vector<1x16xf32>,
      %mul3A_254 = arith.constant 128 : i32
      %mul3A_255 = arith.muli %scan3A_119, %mul3A_254 : i32
      %add3A_256 = arith.constant 32 : i32
      %add3A_257 = arith.addi %mul3A_255, %add3A_256 : i32
      %get3A_258 = arith.index_cast %add3A_257 : i32 to index
      %get3A_259 = tpu.vector_load %arg7[%get3A_258] {strides = array<i32>} : memref<12544xf32, #tpu.memory_space<vmem>>, vector<16xf32>,
      %get3A_260 = vector.shape_cast %get3A_259 : vector<16xf32> to vector<16xf32>
      %get3A_261 = arith.index_cast %add3A_257 : i32 to index
      %get3A_262 = tpu.vector_load %arg8[%get3A_261] {strides = array<i32>} : memref<12544xf32, #tpu.memory_space<vmem>>, vector<16xf32>,
      %get3A_263 = vector.shape_cast %get3A_262 : vector<16xf32> to vector<16xf32>
      %get3A_264 = arith.index_cast %add3A_257 : i32 to index
      %get3A_265 = tpu.vector_load %arg9[%get3A_264] {strides = array<i32>} : memref<12544xf32, #tpu.memory_space<vmem>>, vector<16xf32>,
      %get3A_266 = vector.shape_cast %get3A_265 : vector<16xf32> to vector<16xf32>
      %get3A_267 = arith.index_cast %add3A_257 : i32 to index
      %get3A_268 = tpu.vector_load %arg10[%get3A_267] {strides = array<i32>} : memref<12544xi32, #tpu.memory_space<vmem>>, vector<16xi32>,
      %get3A_269 = vector.shape_cast %get3A_268 : vector<16xi32> to vector<16xi32>
      %div3A_270 = vector.broadcast %scan3A_12 : f32 to vector<16xf32>
      %div3A_271 = arith.divf %get3A_260, %div3A_270 : vector<16xf32>
      %div3A_272 = vector.broadcast %scan3A_13 : f32 to vector<16xf32>
      %div3A_273 = arith.divf %get3A_263, %div3A_272 : vector<16xf32>
      %ge3A_274 = arith.constant 0.000000e+00 : f32
      %ge3A_275 = vector.broadcast %ge3A_274 : f32 to vector<16xf32>
      %ge3A_276 = arith.cmpf oge, %div3A_271, %ge3A_275 : vector<16xf32>
      %lt3A_277 = arith.constant 1.000000e+00 : f32
      %lt3A_278 = vector.broadcast %lt3A_277 : f32 to vector<16xf32>
      %lt3A_279 = arith.cmpf olt, %div3A_271, %lt3A_278 : vector<16xf32>
      %and3A_280 = arith.andi %ge3A_276, %lt3A_279 : vector<16xi1>
      %ge3A_281 = arith.constant 0.000000e+00 : f32
      %ge3A_282 = vector.broadcast %ge3A_281 : f32 to vector<16xf32>
      %ge3A_283 = arith.cmpf oge, %div3A_273, %ge3A_282 : vector<16xf32>
      %and3A_284 = arith.andi %and3A_280, %ge3A_283 : vector<16xi1>
      %lt3A_285 = arith.constant 1.000000e+00 : f32
      %lt3A_286 = vector.broadcast %lt3A_285 : f32 to vector<16xf32>
      %lt3A_287 = arith.cmpf olt, %div3A_273, %lt3A_286 : vector<16xf32>
      %and3A_288 = arith.andi %and3A_284, %lt3A_287 : vector<16xi1>
      %mul3A_289 = vector.broadcast %scan3A_14 : f32 to vector<16xf32>
      %mul3A_290 = arith.mulf %div3A_271, %mul3A_289 : vector<16xf32>
      %convert_element_type3A_291 = arith.fptosi %mul3A_290 : vector<16xf32> to vector<16xi32>
      %mul3A_292 = vector.broadcast %scan3A_15 : f32 to vector<16xf32>
      %mul3A_293 = arith.mulf %div3A_273, %mul3A_292 : vector<16xf32>
      %convert_element_type3A_294 = arith.fptosi %mul3A_293 : vector<16xf32> to vector<16xi32>
      %mul3A_295 = arith.constant 30720 : i32
      %mul3A_296 = vector.broadcast %mul3A_295 : i32 to vector<16xi32>
      %mul3A_297 = arith.muli %get3A_269, %mul3A_296 : vector<16xi32>
      %mul3A_298 = arith.constant 320 : i32
      %mul3A_299 = vector.broadcast %mul3A_298 : i32 to vector<16xi32>
      %mul3A_300 = arith.muli %convert_element_type3A_294, %mul3A_299 : vector<16xi32>
      %add3A_301 = arith.addi %mul3A_297, %mul3A_300 : vector<16xi32>
      %add3A_302 = arith.addi %add3A_301, %convert_element_type3A_291 : vector<16xi32>
      %jit3A_303 = arith.constant 122880 : i32
      %broadcast_in_dim3A_304 = vector.broadcast %jit3A_303 : i32 to vector<16xi32>
      %select_n3A_305 = arith.select %and3A_288, %add3A_302, %broadcast_in_dim3A_304 : vector<16xi1>, vector<16xi32>
      %neg3A_306 = arith.constant 0.000000e+00 : f32
      %neg3A_307 = vector.broadcast %neg3A_306 : f32 to vector<16xf32>
      %neg3A_308 = arith.subf %neg3A_307, %get3A_266 : vector<16xf32>
      %exp3A_309 = math.exp %neg3A_308 : vector<16xf32>
      %add3A_310 = arith.constant 1.000000e+00 : f32
      %add3A_311 = vector.broadcast %add3A_310 : f32 to vector<16xf32>
      %add3A_312 = arith.addf %add3A_311, %exp3A_309 : vector<16xf32>
      %div3A_313 = arith.constant 1.000000e+00 : f32
      %div3A_314 = vector.broadcast %div3A_313 : f32 to vector<16xf32>
      %div3A_315 = arith.divf %div3A_314, %add3A_312 : vector<16xf32>
      %swap3A_316 = arith.index_cast %scan3A_119 : i32 to index
      %swap3A_317 = arith.constant 32 : index
      %swap3A_318 = tpu.vector_load %arg11[%swap3A_316, %swap3A_317] {strides = array<i32>} : memref<98x128xi32, #tpu.memory_space<vmem>>, vector<1x16xi32>,
      %swap3A_319 = vector.shape_cast %swap3A_318 : vector<1x16xi32> to vector<16xi32>
      %swap3A_320 = vector.shape_cast %select_n3A_305 : vector<16xi32> to vector<1x16xi32>
      tpu.vector_store %arg11[%swap3A_316, %swap3A_317], %swap3A_320 {strides = array<i32>} : memref<98x128xi32, #tpu.memory_space<vmem>>, vector<1x16xi32>,
      %swap3A_321 = arith.index_cast %scan3A_119 : i32 to index
      %swap3A_322 = arith.constant 32 : index
      %swap3A_323 = tpu.vector_load %arg12[%swap3A_321, %swap3A_322] {strides = array<i32>} : memref<98x128xf32, #tpu.memory_space<vmem>>, vector<1x16xf32>,
      %swap3A_324 = vector.shape_cast %swap3A_323 : vector<1x16xf32> to vector<16xf32>
      %swap3A_325 = vector.shape_cast %div3A_315 : vector<16xf32> to vector<1x16xf32>
      tpu.vector_store %arg12[%swap3A_321, %swap3A_322], %swap3A_325 {strides = array<i32>} : memref<98x128xf32, #tpu.memory_space<vmem>>, vector<1x16xf32>,
      %mul3A_326 = arith.constant 128 : i32
      %mul3A_327 = arith.muli %scan3A_119, %mul3A_326 : i32
      %add3A_328 = arith.constant 48 : i32
      %add3A_329 = arith.addi %mul3A_327, %add3A_328 : i32
      %get3A_330 = arith.index_cast %add3A_329 : i32 to index
      %get3A_331 = tpu.vector_load %arg7[%get3A_330] {strides = array<i32>} : memref<12544xf32, #tpu.memory_space<vmem>>, vector<16xf32>,
      %get3A_332 = vector.shape_cast %get3A_331 : vector<16xf32> to vector<16xf32>
      %get3A_333 = arith.index_cast %add3A_329 : i32 to index
      %get3A_334 = tpu.vector_load %arg8[%get3A_333] {strides = array<i32>} : memref<12544xf32, #tpu.memory_space<vmem>>, vector<16xf32>,
      %get3A_335 = vector.shape_cast %get3A_334 : vector<16xf32> to vector<16xf32>
      %get3A_336 = arith.index_cast %add3A_329 : i32 to index
      %get3A_337 = tpu.vector_load %arg9[%get3A_336] {strides = array<i32>} : memref<12544xf32, #tpu.memory_space<vmem>>, vector<16xf32>,
      %get3A_338 = vector.shape_cast %get3A_337 : vector<16xf32> to vector<16xf32>
      %get3A_339 = arith.index_cast %add3A_329 : i32 to index
      %get3A_340 = tpu.vector_load %arg10[%get3A_339] {strides = array<i32>} : memref<12544xi32, #tpu.memory_space<vmem>>, vector<16xi32>,
      %get3A_341 = vector.shape_cast %get3A_340 : vector<16xi32> to vector<16xi32>
      %div3A_342 = vector.broadcast %scan3A_12 : f32 to vector<16xf32>
      %div3A_343 = arith.divf %get3A_332, %div3A_342 : vector<16xf32>
      %div3A_344 = vector.broadcast %scan3A_13 : f32 to vector<16xf32>
      %div3A_345 = arith.divf %get3A_335, %div3A_344 : vector<16xf32>
      %ge3A_346 = arith.constant 0.000000e+00 : f32
      %ge3A_347 = vector.broadcast %ge3A_346 : f32 to vector<16xf32>
      %ge3A_348 = arith.cmpf oge, %div3A_343, %ge3A_347 : vector<16xf32>
      %lt3A_349 = arith.constant 1.000000e+00 : f32
      %lt3A_350 = vector.broadcast %lt3A_349 : f32 to vector<16xf32>
      %lt3A_351 = arith.cmpf olt, %div3A_343, %lt3A_350 : vector<16xf32>
      %and3A_352 = arith.andi %ge3A_348, %lt3A_351 : vector<16xi1>
      %ge3A_353 = arith.constant 0.000000e+00 : f32
      %ge3A_354 = vector.broadcast %ge3A_353 : f32 to vector<16xf32>
      %ge3A_355 = arith.cmpf oge, %div3A_345, %ge3A_354 : vector<16xf32>
      %and3A_356 = arith.andi %and3A_352, %ge3A_355 : vector<16xi1>
      %lt3A_357 = arith.constant 1.000000e+00 : f32
      %lt3A_358 = vector.broadcast %lt3A_357 : f32 to vector<16xf32>
      %lt3A_359 = arith.cmpf olt, %div3A_345, %lt3A_358 : vector<16xf32>
      %and3A_360 = arith.andi %and3A_356, %lt3A_359 : vector<16xi1>
      %mul3A_361 = vector.broadcast %scan3A_14 : f32 to vector<16xf32>
      %mul3A_362 = arith.mulf %div3A_343, %mul3A_361 : vector<16xf32>
      %convert_element_type3A_363 = arith.fptosi %mul3A_362 : vector<16xf32> to vector<16xi32>
      %mul3A_364 = vector.broadcast %scan3A_15 : f32 to vector<16xf32>
      %mul3A_365 = arith.mulf %div3A_345, %mul3A_364 : vector<16xf32>
      %convert_element_type3A_366 = arith.fptosi %mul3A_365 : vector<16xf32> to vector<16xi32>
      %mul3A_367 = arith.constant 30720 : i32
      %mul3A_368 = vector.broadcast %mul3A_367 : i32 to vector<16xi32>
      %mul3A_369 = arith.muli %get3A_341, %mul3A_368 : vector<16xi32>
      %mul3A_370 = arith.constant 320 : i32
      %mul3A_371 = vector.broadcast %mul3A_370 : i32 to vector<16xi32>
      %mul3A_372 = arith.muli %convert_element_type3A_366, %mul3A_371 : vector<16xi32>
      %add3A_373 = arith.addi %mul3A_369, %mul3A_372 : vector<16xi32>
      %add3A_374 = arith.addi %add3A_373, %convert_element_type3A_363 : vector<16xi32>
      %jit3A_375 = arith.constant 122880 : i32
      %broadcast_in_dim3A_376 = vector.broadcast %jit3A_375 : i32 to vector<16xi32>
      %select_n3A_377 = arith.select %and3A_360, %add3A_374, %broadcast_in_dim3A_376 : vector<16xi1>, vector<16xi32>
      %neg3A_378 = arith.constant 0.000000e+00 : f32
      %neg3A_379 = vector.broadcast %neg3A_378 : f32 to vector<16xf32>
      %neg3A_380 = arith.subf %neg3A_379, %get3A_338 : vector<16xf32>
      %exp3A_381 = math.exp %neg3A_380 : vector<16xf32>
      %add3A_382 = arith.constant 1.000000e+00 : f32
      %add3A_383 = vector.broadcast %add3A_382 : f32 to vector<16xf32>
      %add3A_384 = arith.addf %add3A_383, %exp3A_381 : vector<16xf32>
      %div3A_385 = arith.constant 1.000000e+00 : f32
      %div3A_386 = vector.broadcast %div3A_385 : f32 to vector<16xf32>
      %div3A_387 = arith.divf %div3A_386, %add3A_384 : vector<16xf32>
      %swap3A_388 = arith.index_cast %scan3A_119 : i32 to index
      %swap3A_389 = arith.constant 48 : index
      %swap3A_390 = tpu.vector_load %arg11[%swap3A_388, %swap3A_389] {strides = array<i32>} : memref<98x128xi32, #tpu.memory_space<vmem>>, vector<1x16xi32>,
      %swap3A_391 = vector.shape_cast %swap3A_390 : vector<1x16xi32> to vector<16xi32>
      %swap3A_392 = vector.shape_cast %select_n3A_377 : vector<16xi32> to vector<1x16xi32>
      tpu.vector_store %arg11[%swap3A_388, %swap3A_389], %swap3A_392 {strides = array<i32>} : memref<98x128xi32, #tpu.memory_space<vmem>>, vector<1x16xi32>,
      %swap3A_393 = arith.index_cast %scan3A_119 : i32 to index
      %swap3A_394 = arith.constant 48 : index
      %swap3A_395 = tpu.vector_load %arg12[%swap3A_393, %swap3A_394] {strides = array<i32>} : memref<98x128xf32, #tpu.memory_space<vmem>>, vector<1x16xf32>,
      %swap3A_396 = vector.shape_cast %swap3A_395 : vector<1x16xf32> to vector<16xf32>
      %swap3A_397 = vector.shape_cast %div3A_387 : vector<16xf32> to vector<1x16xf32>
      tpu.vector_store %arg12[%swap3A_393, %swap3A_394], %swap3A_397 {strides = array<i32>} : memref<98x128xf32, #tpu.memory_space<vmem>>, vector<1x16xf32>,
      %mul3A_398 = arith.constant 128 : i32
      %mul3A_399 = arith.muli %scan3A_119, %mul3A_398 : i32
      %add3A_400 = arith.constant 64 : i32
      %add3A_401 = arith.addi %mul3A_399, %add3A_400 : i32
      %get3A_402 = arith.index_cast %add3A_401 : i32 to index
      %get3A_403 = tpu.vector_load %arg7[%get3A_402] {strides = array<i32>} : memref<12544xf32, #tpu.memory_space<vmem>>, vector<16xf32>,
      %get3A_404 = vector.shape_cast %get3A_403 : vector<16xf32> to vector<16xf32>
      %get3A_405 = arith.index_cast %add3A_401 : i32 to index
      %get3A_406 = tpu.vector_load %arg8[%get3A_405] {strides = array<i32>} : memref<12544xf32, #tpu.memory_space<vmem>>, vector<16xf32>,
      %get3A_407 = vector.shape_cast %get3A_406 : vector<16xf32> to vector<16xf32>
      %get3A_408 = arith.index_cast %add3A_401 : i32 to index
      %get3A_409 = tpu.vector_load %arg9[%get3A_408] {strides = array<i32>} : memref<12544xf32, #tpu.memory_space<vmem>>, vector<16xf32>,
      %get3A_410 = vector.shape_cast %get3A_409 : vector<16xf32> to vector<16xf32>
      %get3A_411 = arith.index_cast %add3A_401 : i32 to index
      %get3A_412 = tpu.vector_load %arg10[%get3A_411] {strides = array<i32>} : memref<12544xi32, #tpu.memory_space<vmem>>, vector<16xi32>,
      %get3A_413 = vector.shape_cast %get3A_412 : vector<16xi32> to vector<16xi32>
      %div3A_414 = vector.broadcast %scan3A_12 : f32 to vector<16xf32>
      %div3A_415 = arith.divf %get3A_404, %div3A_414 : vector<16xf32>
      %div3A_416 = vector.broadcast %scan3A_13 : f32 to vector<16xf32>
      %div3A_417 = arith.divf %get3A_407, %div3A_416 : vector<16xf32>
      %ge3A_418 = arith.constant 0.000000e+00 : f32
      %ge3A_419 = vector.broadcast %ge3A_418 : f32 to vector<16xf32>
      %ge3A_420 = arith.cmpf oge, %div3A_415, %ge3A_419 : vector<16xf32>
      %lt3A_421 = arith.constant 1.000000e+00 : f32
      %lt3A_422 = vector.broadcast %lt3A_421 : f32 to vector<16xf32>
      %lt3A_423 = arith.cmpf olt, %div3A_415, %lt3A_422 : vector<16xf32>
      %and3A_424 = arith.andi %ge3A_420, %lt3A_423 : vector<16xi1>
      %ge3A_425 = arith.constant 0.000000e+00 : f32
      %ge3A_426 = vector.broadcast %ge3A_425 : f32 to vector<16xf32>
      %ge3A_427 = arith.cmpf oge, %div3A_417, %ge3A_426 : vector<16xf32>
      %and3A_428 = arith.andi %and3A_424, %ge3A_427 : vector<16xi1>
      %lt3A_429 = arith.constant 1.000000e+00 : f32
      %lt3A_430 = vector.broadcast %lt3A_429 : f32 to vector<16xf32>
      %lt3A_431 = arith.cmpf olt, %div3A_417, %lt3A_430 : vector<16xf32>
      %and3A_432 = arith.andi %and3A_428, %lt3A_431 : vector<16xi1>
      %mul3A_433 = vector.broadcast %scan3A_14 : f32 to vector<16xf32>
      %mul3A_434 = arith.mulf %div3A_415, %mul3A_433 : vector<16xf32>
      %convert_element_type3A_435 = arith.fptosi %mul3A_434 : vector<16xf32> to vector<16xi32>
      %mul3A_436 = vector.broadcast %scan3A_15 : f32 to vector<16xf32>
      %mul3A_437 = arith.mulf %div3A_417, %mul3A_436 : vector<16xf32>
      %convert_element_type3A_438 = arith.fptosi %mul3A_437 : vector<16xf32> to vector<16xi32>
      %mul3A_439 = arith.constant 30720 : i32
      %mul3A_440 = vector.broadcast %mul3A_439 : i32 to vector<16xi32>
      %mul3A_441 = arith.muli %get3A_413, %mul3A_440 : vector<16xi32>
      %mul3A_442 = arith.constant 320 : i32
      %mul3A_443 = vector.broadcast %mul3A_442 : i32 to vector<16xi32>
      %mul3A_444 = arith.muli %convert_element_type3A_438, %mul3A_443 : vector<16xi32>
      %add3A_445 = arith.addi %mul3A_441, %mul3A_444 : vector<16xi32>
      %add3A_446 = arith.addi %add3A_445, %convert_element_type3A_435 : vector<16xi32>
      %jit3A_447 = arith.constant 122880 : i32
      %broadcast_in_dim3A_448 = vector.broadcast %jit3A_447 : i32 to vector<16xi32>
      %select_n3A_449 = arith.select %and3A_432, %add3A_446, %broadcast_in_dim3A_448 : vector<16xi1>, vector<16xi32>
      %neg3A_450 = arith.constant 0.000000e+00 : f32
      %neg3A_451 = vector.broadcast %neg3A_450 : f32 to vector<16xf32>
      %neg3A_452 = arith.subf %neg3A_451, %get3A_410 : vector<16xf32>
      %exp3A_453 = math.exp %neg3A_452 : vector<16xf32>
      %add3A_454 = arith.constant 1.000000e+00 : f32
      %add3A_455 = vector.broadcast %add3A_454 : f32 to vector<16xf32>
      %add3A_456 = arith.addf %add3A_455, %exp3A_453 : vector<16xf32>
      %div3A_457 = arith.constant 1.000000e+00 : f32
      %div3A_458 = vector.broadcast %div3A_457 : f32 to vector<16xf32>
      %div3A_459 = arith.divf %div3A_458, %add3A_456 : vector<16xf32>
      %swap3A_460 = arith.index_cast %scan3A_119 : i32 to index
      %swap3A_461 = arith.constant 64 : index
      %swap3A_462 = tpu.vector_load %arg11[%swap3A_460, %swap3A_461] {strides = array<i32>} : memref<98x128xi32, #tpu.memory_space<vmem>>, vector<1x16xi32>,
      %swap3A_463 = vector.shape_cast %swap3A_462 : vector<1x16xi32> to vector<16xi32>
      %swap3A_464 = vector.shape_cast %select_n3A_449 : vector<16xi32> to vector<1x16xi32>
      tpu.vector_store %arg11[%swap3A_460, %swap3A_461], %swap3A_464 {strides = array<i32>} : memref<98x128xi32, #tpu.memory_space<vmem>>, vector<1x16xi32>,
      %swap3A_465 = arith.index_cast %scan3A_119 : i32 to index
      %swap3A_466 = arith.constant 64 : index
      %swap3A_467 = tpu.vector_load %arg12[%swap3A_465, %swap3A_466] {strides = array<i32>} : memref<98x128xf32, #tpu.memory_space<vmem>>, vector<1x16xf32>,
      %swap3A_468 = vector.shape_cast %swap3A_467 : vector<1x16xf32> to vector<16xf32>
      %swap3A_469 = vector.shape_cast %div3A_459 : vector<16xf32> to vector<1x16xf32>
      tpu.vector_store %arg12[%swap3A_465, %swap3A_466], %swap3A_469 {strides = array<i32>} : memref<98x128xf32, #tpu.memory_space<vmem>>, vector<1x16xf32>,
      %mul3A_470 = arith.constant 128 : i32
      %mul3A_471 = arith.muli %scan3A_119, %mul3A_470 : i32
      %add3A_472 = arith.constant 80 : i32
      %add3A_473 = arith.addi %mul3A_471, %add3A_472 : i32
      %get3A_474 = arith.index_cast %add3A_473 : i32 to index
      %get3A_475 = tpu.vector_load %arg7[%get3A_474] {strides = array<i32>} : memref<12544xf32, #tpu.memory_space<vmem>>, vector<16xf32>,
      %get3A_476 = vector.shape_cast %get3A_475 : vector<16xf32> to vector<16xf32>
      %get3A_477 = arith.index_cast %add3A_473 : i32 to index
      %get3A_478 = tpu.vector_load %arg8[%get3A_477] {strides = array<i32>} : memref<12544xf32, #tpu.memory_space<vmem>>, vector<16xf32>,
      %get3A_479 = vector.shape_cast %get3A_478 : vector<16xf32> to vector<16xf32>
      %get3A_480 = arith.index_cast %add3A_473 : i32 to index
      %get3A_481 = tpu.vector_load %arg9[%get3A_480] {strides = array<i32>} : memref<12544xf32, #tpu.memory_space<vmem>>, vector<16xf32>,
      %get3A_482 = vector.shape_cast %get3A_481 : vector<16xf32> to vector<16xf32>
      %get3A_483 = arith.index_cast %add3A_473 : i32 to index
      %get3A_484 = tpu.vector_load %arg10[%get3A_483] {strides = array<i32>} : memref<12544xi32, #tpu.memory_space<vmem>>, vector<16xi32>,
      %get3A_485 = vector.shape_cast %get3A_484 : vector<16xi32> to vector<16xi32>
      %div3A_486 = vector.broadcast %scan3A_12 : f32 to vector<16xf32>
      %div3A_487 = arith.divf %get3A_476, %div3A_486 : vector<16xf32>
      %div3A_488 = vector.broadcast %scan3A_13 : f32 to vector<16xf32>
      %div3A_489 = arith.divf %get3A_479, %div3A_488 : vector<16xf32>
      %ge3A_490 = arith.constant 0.000000e+00 : f32
      %ge3A_491 = vector.broadcast %ge3A_490 : f32 to vector<16xf32>
      %ge3A_492 = arith.cmpf oge, %div3A_487, %ge3A_491 : vector<16xf32>
      %lt3A_493 = arith.constant 1.000000e+00 : f32
      %lt3A_494 = vector.broadcast %lt3A_493 : f32 to vector<16xf32>
      %lt3A_495 = arith.cmpf olt, %div3A_487, %lt3A_494 : vector<16xf32>
      %and3A_496 = arith.andi %ge3A_492, %lt3A_495 : vector<16xi1>
      %ge3A_497 = arith.constant 0.000000e+00 : f32
      %ge3A_498 = vector.broadcast %ge3A_497 : f32 to vector<16xf32>
      %ge3A_499 = arith.cmpf oge, %div3A_489, %ge3A_498 : vector<16xf32>
      %and3A_500 = arith.andi %and3A_496, %ge3A_499 : vector<16xi1>
      %lt3A_501 = arith.constant 1.000000e+00 : f32
      %lt3A_502 = vector.broadcast %lt3A_501 : f32 to vector<16xf32>
      %lt3A_503 = arith.cmpf olt, %div3A_489, %lt3A_502 : vector<16xf32>
      %and3A_504 = arith.andi %and3A_500, %lt3A_503 : vector<16xi1>
      %mul3A_505 = vector.broadcast %scan3A_14 : f32 to vector<16xf32>
      %mul3A_506 = arith.mulf %div3A_487, %mul3A_505 : vector<16xf32>
      %convert_element_type3A_507 = arith.fptosi %mul3A_506 : vector<16xf32> to vector<16xi32>
      %mul3A_508 = vector.broadcast %scan3A_15 : f32 to vector<16xf32>
      %mul3A_509 = arith.mulf %div3A_489, %mul3A_508 : vector<16xf32>
      %convert_element_type3A_510 = arith.fptosi %mul3A_509 : vector<16xf32> to vector<16xi32>
      %mul3A_511 = arith.constant 30720 : i32
      %mul3A_512 = vector.broadcast %mul3A_511 : i32 to vector<16xi32>
      %mul3A_513 = arith.muli %get3A_485, %mul3A_512 : vector<16xi32>
      %mul3A_514 = arith.constant 320 : i32
      %mul3A_515 = vector.broadcast %mul3A_514 : i32 to vector<16xi32>
      %mul3A_516 = arith.muli %convert_element_type3A_510, %mul3A_515 : vector<16xi32>
      %add3A_517 = arith.addi %mul3A_513, %mul3A_516 : vector<16xi32>
      %add3A_518 = arith.addi %add3A_517, %convert_element_type3A_507 : vector<16xi32>
      %jit3A_519 = arith.constant 122880 : i32
      %broadcast_in_dim3A_520 = vector.broadcast %jit3A_519 : i32 to vector<16xi32>
      %select_n3A_521 = arith.select %and3A_504, %add3A_518, %broadcast_in_dim3A_520 : vector<16xi1>, vector<16xi32>
      %neg3A_522 = arith.constant 0.000000e+00 : f32
      %neg3A_523 = vector.broadcast %neg3A_522 : f32 to vector<16xf32>
      %neg3A_524 = arith.subf %neg3A_523, %get3A_482 : vector<16xf32>
      %exp3A_525 = math.exp %neg3A_524 : vector<16xf32>
      %add3A_526 = arith.constant 1.000000e+00 : f32
      %add3A_527 = vector.broadcast %add3A_526 : f32 to vector<16xf32>
      %add3A_528 = arith.addf %add3A_527, %exp3A_525 : vector<16xf32>
      %div3A_529 = arith.constant 1.000000e+00 : f32
      %div3A_530 = vector.broadcast %div3A_529 : f32 to vector<16xf32>
      %div3A_531 = arith.divf %div3A_530, %add3A_528 : vector<16xf32>
      %swap3A_532 = arith.index_cast %scan3A_119 : i32 to index
      %swap3A_533 = arith.constant 80 : index
      %swap3A_534 = tpu.vector_load %arg11[%swap3A_532, %swap3A_533] {strides = array<i32>} : memref<98x128xi32, #tpu.memory_space<vmem>>, vector<1x16xi32>,
      %swap3A_535 = vector.shape_cast %swap3A_534 : vector<1x16xi32> to vector<16xi32>
      %swap3A_536 = vector.shape_cast %select_n3A_521 : vector<16xi32> to vector<1x16xi32>
      tpu.vector_store %arg11[%swap3A_532, %swap3A_533], %swap3A_536 {strides = array<i32>} : memref<98x128xi32, #tpu.memory_space<vmem>>, vector<1x16xi32>,
      %swap3A_537 = arith.index_cast %scan3A_119 : i32 to index
      %swap3A_538 = arith.constant 80 : index
      %swap3A_539 = tpu.vector_load %arg12[%swap3A_537, %swap3A_538] {strides = array<i32>} : memref<98x128xf32, #tpu.memory_space<vmem>>, vector<1x16xf32>,
      %swap3A_540 = vector.shape_cast %swap3A_539 : vector<1x16xf32> to vector<16xf32>
      %swap3A_541 = vector.shape_cast %div3A_531 : vector<16xf32> to vector<1x16xf32>
      tpu.vector_store %arg12[%swap3A_537, %swap3A_538], %swap3A_541 {strides = array<i32>} : memref<98x128xf32, #tpu.memory_space<vmem>>, vector<1x16xf32>,
      %mul3A_542 = arith.constant 128 : i32
      %mul3A_543 = arith.muli %scan3A_119, %mul3A_542 : i32
      %add3A_544 = arith.constant 96 : i32
      %add3A_545 = arith.addi %mul3A_543, %add3A_544 : i32
      %get3A_546 = arith.index_cast %add3A_545 : i32 to index
      %get3A_547 = tpu.vector_load %arg7[%get3A_546] {strides = array<i32>} : memref<12544xf32, #tpu.memory_space<vmem>>, vector<16xf32>,
      %get3A_548 = vector.shape_cast %get3A_547 : vector<16xf32> to vector<16xf32>
      %get3A_549 = arith.index_cast %add3A_545 : i32 to index
      %get3A_550 = tpu.vector_load %arg8[%get3A_549] {strides = array<i32>} : memref<12544xf32, #tpu.memory_space<vmem>>, vector<16xf32>,
      %get3A_551 = vector.shape_cast %get3A_550 : vector<16xf32> to vector<16xf32>
      %get3A_552 = arith.index_cast %add3A_545 : i32 to index
      %get3A_553 = tpu.vector_load %arg9[%get3A_552] {strides = array<i32>} : memref<12544xf32, #tpu.memory_space<vmem>>, vector<16xf32>,
      %get3A_554 = vector.shape_cast %get3A_553 : vector<16xf32> to vector<16xf32>
      %get3A_555 = arith.index_cast %add3A_545 : i32 to index
      %get3A_556 = tpu.vector_load %arg10[%get3A_555] {strides = array<i32>} : memref<12544xi32, #tpu.memory_space<vmem>>, vector<16xi32>,
      %get3A_557 = vector.shape_cast %get3A_556 : vector<16xi32> to vector<16xi32>
      %div3A_558 = vector.broadcast %scan3A_12 : f32 to vector<16xf32>
      %div3A_559 = arith.divf %get3A_548, %div3A_558 : vector<16xf32>
      %div3A_560 = vector.broadcast %scan3A_13 : f32 to vector<16xf32>
      %div3A_561 = arith.divf %get3A_551, %div3A_560 : vector<16xf32>
      %ge3A_562 = arith.constant 0.000000e+00 : f32
      %ge3A_563 = vector.broadcast %ge3A_562 : f32 to vector<16xf32>
      %ge3A_564 = arith.cmpf oge, %div3A_559, %ge3A_563 : vector<16xf32>
      %lt3A_565 = arith.constant 1.000000e+00 : f32
      %lt3A_566 = vector.broadcast %lt3A_565 : f32 to vector<16xf32>
      %lt3A_567 = arith.cmpf olt, %div3A_559, %lt3A_566 : vector<16xf32>
      %and3A_568 = arith.andi %ge3A_564, %lt3A_567 : vector<16xi1>
      %ge3A_569 = arith.constant 0.000000e+00 : f32
      %ge3A_570 = vector.broadcast %ge3A_569 : f32 to vector<16xf32>
      %ge3A_571 = arith.cmpf oge, %div3A_561, %ge3A_570 : vector<16xf32>
      %and3A_572 = arith.andi %and3A_568, %ge3A_571 : vector<16xi1>
      %lt3A_573 = arith.constant 1.000000e+00 : f32
      %lt3A_574 = vector.broadcast %lt3A_573 : f32 to vector<16xf32>
      %lt3A_575 = arith.cmpf olt, %div3A_561, %lt3A_574 : vector<16xf32>
      %and3A_576 = arith.andi %and3A_572, %lt3A_575 : vector<16xi1>
      %mul3A_577 = vector.broadcast %scan3A_14 : f32 to vector<16xf32>
      %mul3A_578 = arith.mulf %div3A_559, %mul3A_577 : vector<16xf32>
      %convert_element_type3A_579 = arith.fptosi %mul3A_578 : vector<16xf32> to vector<16xi32>
      %mul3A_580 = vector.broadcast %scan3A_15 : f32 to vector<16xf32>
      %mul3A_581 = arith.mulf %div3A_561, %mul3A_580 : vector<16xf32>
      %convert_element_type3A_582 = arith.fptosi %mul3A_581 : vector<16xf32> to vector<16xi32>
      %mul3A_583 = arith.constant 30720 : i32
      %mul3A_584 = vector.broadcast %mul3A_583 : i32 to vector<16xi32>
      %mul3A_585 = arith.muli %get3A_557, %mul3A_584 : vector<16xi32>
      %mul3A_586 = arith.constant 320 : i32
      %mul3A_587 = vector.broadcast %mul3A_586 : i32 to vector<16xi32>
      %mul3A_588 = arith.muli %convert_element_type3A_582, %mul3A_587 : vector<16xi32>
      %add3A_589 = arith.addi %mul3A_585, %mul3A_588 : vector<16xi32>
      %add3A_590 = arith.addi %add3A_589, %convert_element_type3A_579 : vector<16xi32>
      %jit3A_591 = arith.constant 122880 : i32
      %broadcast_in_dim3A_592 = vector.broadcast %jit3A_591 : i32 to vector<16xi32>
      %select_n3A_593 = arith.select %and3A_576, %add3A_590, %broadcast_in_dim3A_592 : vector<16xi1>, vector<16xi32>
      %neg3A_594 = arith.constant 0.000000e+00 : f32
      %neg3A_595 = vector.broadcast %neg3A_594 : f32 to vector<16xf32>
      %neg3A_596 = arith.subf %neg3A_595, %get3A_554 : vector<16xf32>
      %exp3A_597 = math.exp %neg3A_596 : vector<16xf32>
      %add3A_598 = arith.constant 1.000000e+00 : f32
      %add3A_599 = vector.broadcast %add3A_598 : f32 to vector<16xf32>
      %add3A_600 = arith.addf %add3A_599, %exp3A_597 : vector<16xf32>
      %div3A_601 = arith.constant 1.000000e+00 : f32
      %div3A_602 = vector.broadcast %div3A_601 : f32 to vector<16xf32>
      %div3A_603 = arith.divf %div3A_602, %add3A_600 : vector<16xf32>
      %swap3A_604 = arith.index_cast %scan3A_119 : i32 to index
      %swap3A_605 = arith.constant 96 : index
      %swap3A_606 = tpu.vector_load %arg11[%swap3A_604, %swap3A_605] {strides = array<i32>} : memref<98x128xi32, #tpu.memory_space<vmem>>, vector<1x16xi32>,
      %swap3A_607 = vector.shape_cast %swap3A_606 : vector<1x16xi32> to vector<16xi32>
      %swap3A_608 = vector.shape_cast %select_n3A_593 : vector<16xi32> to vector<1x16xi32>
      tpu.vector_store %arg11[%swap3A_604, %swap3A_605], %swap3A_608 {strides = array<i32>} : memref<98x128xi32, #tpu.memory_space<vmem>>, vector<1x16xi32>,
      %swap3A_609 = arith.index_cast %scan3A_119 : i32 to index
      %swap3A_610 = arith.constant 96 : index
      %swap3A_611 = tpu.vector_load %arg12[%swap3A_609, %swap3A_610] {strides = array<i32>} : memref<98x128xf32, #tpu.memory_space<vmem>>, vector<1x16xf32>,
      %swap3A_612 = vector.shape_cast %swap3A_611 : vector<1x16xf32> to vector<16xf32>
      %swap3A_613 = vector.shape_cast %div3A_603 : vector<16xf32> to vector<1x16xf32>
      tpu.vector_store %arg12[%swap3A_609, %swap3A_610], %swap3A_613 {strides = array<i32>} : memref<98x128xf32, #tpu.memory_space<vmem>>, vector<1x16xf32>,
      %mul3A_614 = arith.constant 128 : i32
      %mul3A_615 = arith.muli %scan3A_119, %mul3A_614 : i32
      %add3A_616 = arith.constant 112 : i32
      %add3A_617 = arith.addi %mul3A_615, %add3A_616 : i32
      %get3A_618 = arith.index_cast %add3A_617 : i32 to index
      %get3A_619 = tpu.vector_load %arg7[%get3A_618] {strides = array<i32>} : memref<12544xf32, #tpu.memory_space<vmem>>, vector<16xf32>,
      %get3A_620 = vector.shape_cast %get3A_619 : vector<16xf32> to vector<16xf32>
      %get3A_621 = arith.index_cast %add3A_617 : i32 to index
      %get3A_622 = tpu.vector_load %arg8[%get3A_621] {strides = array<i32>} : memref<12544xf32, #tpu.memory_space<vmem>>, vector<16xf32>,
      %get3A_623 = vector.shape_cast %get3A_622 : vector<16xf32> to vector<16xf32>
      %get3A_624 = arith.index_cast %add3A_617 : i32 to index
      %get3A_625 = tpu.vector_load %arg9[%get3A_624] {strides = array<i32>} : memref<12544xf32, #tpu.memory_space<vmem>>, vector<16xf32>,
      %get3A_626 = vector.shape_cast %get3A_625 : vector<16xf32> to vector<16xf32>
      %get3A_627 = arith.index_cast %add3A_617 : i32 to index
      %get3A_628 = tpu.vector_load %arg10[%get3A_627] {strides = array<i32>} : memref<12544xi32, #tpu.memory_space<vmem>>, vector<16xi32>,
      %get3A_629 = vector.shape_cast %get3A_628 : vector<16xi32> to vector<16xi32>
      %div3A_630 = vector.broadcast %scan3A_12 : f32 to vector<16xf32>
      %div3A_631 = arith.divf %get3A_620, %div3A_630 : vector<16xf32>
      %div3A_632 = vector.broadcast %scan3A_13 : f32 to vector<16xf32>
      %div3A_633 = arith.divf %get3A_623, %div3A_632 : vector<16xf32>
      %ge3A_634 = arith.constant 0.000000e+00 : f32
      %ge3A_635 = vector.broadcast %ge3A_634 : f32 to vector<16xf32>
      %ge3A_636 = arith.cmpf oge, %div3A_631, %ge3A_635 : vector<16xf32>
      %lt3A_637 = arith.constant 1.000000e+00 : f32
      %lt3A_638 = vector.broadcast %lt3A_637 : f32 to vector<16xf32>
      %lt3A_639 = arith.cmpf olt, %div3A_631, %lt3A_638 : vector<16xf32>
      %and3A_640 = arith.andi %ge3A_636, %lt3A_639 : vector<16xi1>
      %ge3A_641 = arith.constant 0.000000e+00 : f32
      %ge3A_642 = vector.broadcast %ge3A_641 : f32 to vector<16xf32>
      %ge3A_643 = arith.cmpf oge, %div3A_633, %ge3A_642 : vector<16xf32>
      %and3A_644 = arith.andi %and3A_640, %ge3A_643 : vector<16xi1>
      %lt3A_645 = arith.constant 1.000000e+00 : f32
      %lt3A_646 = vector.broadcast %lt3A_645 : f32 to vector<16xf32>
      %lt3A_647 = arith.cmpf olt, %div3A_633, %lt3A_646 : vector<16xf32>
      %and3A_648 = arith.andi %and3A_644, %lt3A_647 : vector<16xi1>
      %mul3A_649 = vector.broadcast %scan3A_14 : f32 to vector<16xf32>
      %mul3A_650 = arith.mulf %div3A_631, %mul3A_649 : vector<16xf32>
      %convert_element_type3A_651 = arith.fptosi %mul3A_650 : vector<16xf32> to vector<16xi32>
      %mul3A_652 = vector.broadcast %scan3A_15 : f32 to vector<16xf32>
      %mul3A_653 = arith.mulf %div3A_633, %mul3A_652 : vector<16xf32>
      %convert_element_type3A_654 = arith.fptosi %mul3A_653 : vector<16xf32> to vector<16xi32>
      %mul3A_655 = arith.constant 30720 : i32
      %mul3A_656 = vector.broadcast %mul3A_655 : i32 to vector<16xi32>
      %mul3A_657 = arith.muli %get3A_629, %mul3A_656 : vector<16xi32>
      %mul3A_658 = arith.constant 320 : i32
      %mul3A_659 = vector.broadcast %mul3A_658 : i32 to vector<16xi32>
      %mul3A_660 = arith.muli %convert_element_type3A_654, %mul3A_659 : vector<16xi32>
      %add3A_661 = arith.addi %mul3A_657, %mul3A_660 : vector<16xi32>
      %add3A_662 = arith.addi %add3A_661, %convert_element_type3A_651 : vector<16xi32>
      %jit3A_663 = arith.constant 122880 : i32
      %broadcast_in_dim3A_664 = vector.broadcast %jit3A_663 : i32 to vector<16xi32>
      %select_n3A_665 = arith.select %and3A_648, %add3A_662, %broadcast_in_dim3A_664 : vector<16xi1>, vector<16xi32>
      %neg3A_666 = arith.constant 0.000000e+00 : f32
      %neg3A_667 = vector.broadcast %neg3A_666 : f32 to vector<16xf32>
      %neg3A_668 = arith.subf %neg3A_667, %get3A_626 : vector<16xf32>
      %exp3A_669 = math.exp %neg3A_668 : vector<16xf32>
      %add3A_670 = arith.constant 1.000000e+00 : f32
      %add3A_671 = vector.broadcast %add3A_670 : f32 to vector<16xf32>
      %add3A_672 = arith.addf %add3A_671, %exp3A_669 : vector<16xf32>
      %div3A_673 = arith.constant 1.000000e+00 : f32
      %div3A_674 = vector.broadcast %div3A_673 : f32 to vector<16xf32>
      %div3A_675 = arith.divf %div3A_674, %add3A_672 : vector<16xf32>
      %swap3A_676 = arith.index_cast %scan3A_119 : i32 to index
      %swap3A_677 = arith.constant 112 : index
      %swap3A_678 = tpu.vector_load %arg11[%swap3A_676, %swap3A_677] {strides = array<i32>} : memref<98x128xi32, #tpu.memory_space<vmem>>, vector<1x16xi32>,
      %swap3A_679 = vector.shape_cast %swap3A_678 : vector<1x16xi32> to vector<16xi32>
      %swap3A_680 = vector.shape_cast %select_n3A_665 : vector<16xi32> to vector<1x16xi32>
      tpu.vector_store %arg11[%swap3A_676, %swap3A_677], %swap3A_680 {strides = array<i32>} : memref<98x128xi32, #tpu.memory_space<vmem>>, vector<1x16xi32>,
      %swap3A_681 = arith.index_cast %scan3A_119 : i32 to index
      %swap3A_682 = arith.constant 112 : index
      %swap3A_683 = tpu.vector_load %arg12[%swap3A_681, %swap3A_682] {strides = array<i32>} : memref<98x128xf32, #tpu.memory_space<vmem>>, vector<1x16xf32>,
      %swap3A_684 = vector.shape_cast %swap3A_683 : vector<1x16xf32> to vector<16xf32>
      %swap3A_685 = vector.shape_cast %div3A_675 : vector<16xf32> to vector<1x16xf32>
      tpu.vector_store %arg12[%swap3A_681, %swap3A_682], %swap3A_685 {strides = array<i32>} : memref<98x128xf32, #tpu.memory_space<vmem>>, vector<1x16xf32>,
    }
    %scan3A_20 = arith.constant 98 : i32
    %eq3A = arith.constant 0 : i32
    %eq3A_21 = arith.cmpi eq, %arg1, %eq3A : i32
    %convert_element_type3A = arith.extui %eq3A_21 : i1 to i32
    %cond3A = arith.constant 0 : i32
    %cond3A_22 = arith.cmpi ne, %convert_element_type3A, %cond3A : i32
    scf.if %cond3A_22 {
      %scan3A_119 = arith.constant 0 : i32
      %scan3A_120 = arith.constant 0 : i32
      %scan3A_121 = arith.constant 98 : i32
      %scan3A_122 = arith.addi %scan3A_120, %scan3A_121 : i32
      %scan3A_123 = arith.constant 1 : i32
      scf.for %scan3A_125 = %scan3A_120 to %scan3A_122 step %scan3A_123  : i32 {
        "tpu.region"() ({
          %run_scoped3A = tpu.sem_alloc : memref<!tpu.dma_semaphore, #tpu.memory_space<semaphore_mem>>
          %dma_start3A = arith.constant 0 : i32
          %dma_start3A_126 = tpu.memref_slice %arg12[%scan3A_125, %dma_start3A] : memref<98x128xf32, #tpu.memory_space<vmem>> -> memref<1x128xf32, #tpu.memory_space<vmem>>
          %dma_start3A_127 = tpu.memref_squeeze %dma_start3A_126 : memref<1x128xf32, #tpu.memory_space<vmem>> -> memref<128xf32, #tpu.memory_space<vmem>>
          %dma_start3A_128 = arith.constant 0 : i32
          %dma_start3A_129 = tpu.memref_slice %arg11[%scan3A_125, %dma_start3A_128] : memref<98x128xi32, #tpu.memory_space<vmem>> -> memref<1x128xi32, #tpu.memory_space<vmem>>
          %dma_start3A_130 = tpu.memref_squeeze %dma_start3A_129 : memref<1x128xi32, #tpu.memory_space<vmem>> -> memref<128xi32, #tpu.memory_space<vmem>>
          %dma_start3A_131 = arith.constant 0 : i32
          %dma_start3A_132 = tpu.memref_slice %arg13[%dma_start3A_131] : memref<123136xf32, #tpu.memory_space<vmem_shared>> -> memref<123136xf32, #tpu.memory_space<vmem_shared>>
          tpu.enqueue_indirect_dma source(%dma_start3A_127 : memref<128xf32, #tpu.memory_space<vmem>>) target(%dma_start3A_132 : memref<123136xf32, #tpu.memory_space<vmem_shared>>) offsets(%dma_start3A_130 : memref<128xi32, #tpu.memory_space<vmem>>) semaphore(%run_scoped3A : memref<!tpu.dma_semaphore, #tpu.memory_space<semaphore_mem>>)
          %dma_wait3A = arith.constant 0 : i32
          %dma_wait3A_133 = tpu.memref_slice %arg12[%scan3A_125, %dma_wait3A] : memref<98x128xf32, #tpu.memory_space<vmem>> -> memref<1x128xf32, #tpu.memory_space<vmem>>
          %dma_wait3A_134 = tpu.memref_squeeze %dma_wait3A_133 : memref<1x128xf32, #tpu.memory_space<vmem>> -> memref<128xf32, #tpu.memory_space<vmem>>
          %dma_wait3A_135 = arith.constant 0 : i32
          %dma_wait3A_136 = tpu.memref_slice %arg11[%scan3A_125, %dma_wait3A_135] : memref<98x128xi32, #tpu.memory_space<vmem>> -> memref<1x128xi32, #tpu.memory_space<vmem>>
          %dma_wait3A_137 = tpu.memref_squeeze %dma_wait3A_136 : memref<1x128xi32, #tpu.memory_space<vmem>> -> memref<128xi32, #tpu.memory_space<vmem>>
          %dma_wait3A_138 = arith.constant 0 : i32
          %dma_wait3A_139 = tpu.memref_slice %arg13[%dma_wait3A_138] : memref<123136xf32, #tpu.memory_space<vmem_shared>> -> memref<123136xf32, #tpu.memory_space<vmem_shared>>
          tpu.wait_indirect_dma semaphore(%run_scoped3A : memref<!tpu.dma_semaphore, #tpu.memory_space<semaphore_mem>>) src(%dma_wait3A_134 : memref<128xf32, #tpu.memory_space<vmem>>) dst(%dma_wait3A_139 : memref<123136xf32, #tpu.memory_space<vmem_shared>>)
          tpu.yield
        }) : () -> ()
      }
      %scan3A_124 = arith.constant 98 : i32
    } else {
    }
    %barrier3A_23 = arith.constant 0 : index
    tpu.barrier barrier_id(%barrier3A_23)
    %eq3A_24 = arith.constant 1 : i32
    %eq3A_25 = arith.cmpi eq, %arg1, %eq3A_24 : i32
    %convert_element_type3A_26 = arith.extui %eq3A_25 : i1 to i32
    %cond3A_27 = arith.constant 0 : i32
    %cond3A_28 = arith.cmpi ne, %convert_element_type3A_26, %cond3A_27 : i32
    scf.if %cond3A_28 {
      %scan3A_119 = arith.constant 0 : i32
      %scan3A_120 = arith.constant 0 : i32
      %scan3A_121 = arith.constant 98 : i32
      %scan3A_122 = arith.addi %scan3A_120, %scan3A_121 : i32
      %scan3A_123 = arith.constant 1 : i32
      scf.for %scan3A_125 = %scan3A_120 to %scan3A_122 step %scan3A_123  : i32 {
        "tpu.region"() ({
          %run_scoped3A = tpu.sem_alloc : memref<!tpu.dma_semaphore, #tpu.memory_space<semaphore_mem>>
          %dma_start3A = arith.constant 0 : i32
          %dma_start3A_126 = tpu.memref_slice %arg12[%scan3A_125, %dma_start3A] : memref<98x128xf32, #tpu.memory_space<vmem>> -> memref<1x128xf32, #tpu.memory_space<vmem>>
          %dma_start3A_127 = tpu.memref_squeeze %dma_start3A_126 : memref<1x128xf32, #tpu.memory_space<vmem>> -> memref<128xf32, #tpu.memory_space<vmem>>
          %dma_start3A_128 = arith.constant 0 : i32
          %dma_start3A_129 = tpu.memref_slice %arg11[%scan3A_125, %dma_start3A_128] : memref<98x128xi32, #tpu.memory_space<vmem>> -> memref<1x128xi32, #tpu.memory_space<vmem>>
          %dma_start3A_130 = tpu.memref_squeeze %dma_start3A_129 : memref<1x128xi32, #tpu.memory_space<vmem>> -> memref<128xi32, #tpu.memory_space<vmem>>
          %dma_start3A_131 = arith.constant 0 : i32
          %dma_start3A_132 = tpu.memref_slice %arg13[%dma_start3A_131] : memref<123136xf32, #tpu.memory_space<vmem_shared>> -> memref<123136xf32, #tpu.memory_space<vmem_shared>>
          tpu.enqueue_indirect_dma source(%dma_start3A_127 : memref<128xf32, #tpu.memory_space<vmem>>) target(%dma_start3A_132 : memref<123136xf32, #tpu.memory_space<vmem_shared>>) offsets(%dma_start3A_130 : memref<128xi32, #tpu.memory_space<vmem>>) semaphore(%run_scoped3A : memref<!tpu.dma_semaphore, #tpu.memory_space<semaphore_mem>>)
          %dma_wait3A = arith.constant 0 : i32
          %dma_wait3A_133 = tpu.memref_slice %arg12[%scan3A_125, %dma_wait3A] : memref<98x128xf32, #tpu.memory_space<vmem>> -> memref<1x128xf32, #tpu.memory_space<vmem>>
          %dma_wait3A_134 = tpu.memref_squeeze %dma_wait3A_133 : memref<1x128xf32, #tpu.memory_space<vmem>> -> memref<128xf32, #tpu.memory_space<vmem>>
          %dma_wait3A_135 = arith.constant 0 : i32
          %dma_wait3A_136 = tpu.memref_slice %arg11[%scan3A_125, %dma_wait3A_135] : memref<98x128xi32, #tpu.memory_space<vmem>> -> memref<1x128xi32, #tpu.memory_space<vmem>>
          %dma_wait3A_137 = tpu.memref_squeeze %dma_wait3A_136 : memref<1x128xi32, #tpu.memory_space<vmem>> -> memref<128xi32, #tpu.memory_space<vmem>>
          %dma_wait3A_138 = arith.constant 0 : i32
          %dma_wait3A_139 = tpu.memref_slice %arg13[%dma_wait3A_138] : memref<123136xf32, #tpu.memory_space<vmem_shared>> -> memref<123136xf32, #tpu.memory_space<vmem_shared>>
          tpu.wait_indirect_dma semaphore(%run_scoped3A : memref<!tpu.dma_semaphore, #tpu.memory_space<semaphore_mem>>) src(%dma_wait3A_134 : memref<128xf32, #tpu.memory_space<vmem>>) dst(%dma_wait3A_139 : memref<123136xf32, #tpu.memory_space<vmem_shared>>)
          tpu.yield
        }) : () -> ()
      }
      %scan3A_124 = arith.constant 98 : i32
    } else {
    }
    %barrier3A_29 = arith.constant 0 : index
    tpu.barrier barrier_id(%barrier3A_29)
    %eq3A_30 = arith.constant 2 : i32
    %eq3A_31 = arith.cmpi eq, %arg1, %eq3A_30 : i32
    %convert_element_type3A_32 = arith.extui %eq3A_31 : i1 to i32
    %cond3A_33 = arith.constant 0 : i32
    %cond3A_34 = arith.cmpi ne, %convert_element_type3A_32, %cond3A_33 : i32
    scf.if %cond3A_34 {
      %scan3A_119 = arith.constant 0 : i32
      %scan3A_120 = arith.constant 0 : i32
      %scan3A_121 = arith.constant 98 : i32
      %scan3A_122 = arith.addi %scan3A_120, %scan3A_121 : i32
      %scan3A_123 = arith.constant 1 : i32
      scf.for %scan3A_125 = %scan3A_120 to %scan3A_122 step %scan3A_123  : i32 {
        "tpu.region"() ({
          %run_scoped3A = tpu.sem_alloc : memref<!tpu.dma_semaphore, #tpu.memory_space<semaphore_mem>>
          %dma_start3A = arith.constant 0 : i32
          %dma_start3A_126 = tpu.memref_slice %arg12[%scan3A_125, %dma_start3A] : memref<98x128xf32, #tpu.memory_space<vmem>> -> memref<1x128xf32, #tpu.memory_space<vmem>>
          %dma_start3A_127 = tpu.memref_squeeze %dma_start3A_126 : memref<1x128xf32, #tpu.memory_space<vmem>> -> memref<128xf32, #tpu.memory_space<vmem>>
          %dma_start3A_128 = arith.constant 0 : i32
          %dma_start3A_129 = tpu.memref_slice %arg11[%scan3A_125, %dma_start3A_128] : memref<98x128xi32, #tpu.memory_space<vmem>> -> memref<1x128xi32, #tpu.memory_space<vmem>>
          %dma_start3A_130 = tpu.memref_squeeze %dma_start3A_129 : memref<1x128xi32, #tpu.memory_space<vmem>> -> memref<128xi32, #tpu.memory_space<vmem>>
          %dma_start3A_131 = arith.constant 0 : i32
          %dma_start3A_132 = tpu.memref_slice %arg13[%dma_start3A_131] : memref<123136xf32, #tpu.memory_space<vmem_shared>> -> memref<123136xf32, #tpu.memory_space<vmem_shared>>
          tpu.enqueue_indirect_dma source(%dma_start3A_127 : memref<128xf32, #tpu.memory_space<vmem>>) target(%dma_start3A_132 : memref<123136xf32, #tpu.memory_space<vmem_shared>>) offsets(%dma_start3A_130 : memref<128xi32, #tpu.memory_space<vmem>>) semaphore(%run_scoped3A : memref<!tpu.dma_semaphore, #tpu.memory_space<semaphore_mem>>)
          %dma_wait3A = arith.constant 0 : i32
          %dma_wait3A_133 = tpu.memref_slice %arg12[%scan3A_125, %dma_wait3A] : memref<98x128xf32, #tpu.memory_space<vmem>> -> memref<1x128xf32, #tpu.memory_space<vmem>>
          %dma_wait3A_134 = tpu.memref_squeeze %dma_wait3A_133 : memref<1x128xf32, #tpu.memory_space<vmem>> -> memref<128xf32, #tpu.memory_space<vmem>>
          %dma_wait3A_135 = arith.constant 0 : i32
          %dma_wait3A_136 = tpu.memref_slice %arg11[%scan3A_125, %dma_wait3A_135] : memref<98x128xi32, #tpu.memory_space<vmem>> -> memref<1x128xi32, #tpu.memory_space<vmem>>
          %dma_wait3A_137 = tpu.memref_squeeze %dma_wait3A_136 : memref<1x128xi32, #tpu.memory_space<vmem>> -> memref<128xi32, #tpu.memory_space<vmem>>
          %dma_wait3A_138 = arith.constant 0 : i32
          %dma_wait3A_139 = tpu.memref_slice %arg13[%dma_wait3A_138] : memref<123136xf32, #tpu.memory_space<vmem_shared>> -> memref<123136xf32, #tpu.memory_space<vmem_shared>>
          tpu.wait_indirect_dma semaphore(%run_scoped3A : memref<!tpu.dma_semaphore, #tpu.memory_space<semaphore_mem>>) src(%dma_wait3A_134 : memref<128xf32, #tpu.memory_space<vmem>>) dst(%dma_wait3A_139 : memref<123136xf32, #tpu.memory_space<vmem_shared>>)
          tpu.yield
        }) : () -> ()
      }
      %scan3A_124 = arith.constant 98 : i32
    } else {
    }
    %barrier3A_35 = arith.constant 0 : index
    tpu.barrier barrier_id(%barrier3A_35)
    %eq3A_36 = arith.constant 3 : i32
    %eq3A_37 = arith.cmpi eq, %arg1, %eq3A_36 : i32
    %convert_element_type3A_38 = arith.extui %eq3A_37 : i1 to i32
    %cond3A_39 = arith.constant 0 : i32
    %cond3A_40 = arith.cmpi ne, %convert_element_type3A_38, %cond3A_39 : i32
    scf.if %cond3A_40 {
      %scan3A_119 = arith.constant 0 : i32
      %scan3A_120 = arith.constant 0 : i32
      %scan3A_121 = arith.constant 98 : i32
      %scan3A_122 = arith.addi %scan3A_120, %scan3A_121 : i32
      %scan3A_123 = arith.constant 1 : i32
      scf.for %scan3A_125 = %scan3A_120 to %scan3A_122 step %scan3A_123  : i32 {
        "tpu.region"() ({
          %run_scoped3A = tpu.sem_alloc : memref<!tpu.dma_semaphore, #tpu.memory_space<semaphore_mem>>
          %dma_start3A = arith.constant 0 : i32
          %dma_start3A_126 = tpu.memref_slice %arg12[%scan3A_125, %dma_start3A] : memref<98x128xf32, #tpu.memory_space<vmem>> -> memref<1x128xf32, #tpu.memory_space<vmem>>
          %dma_start3A_127 = tpu.memref_squeeze %dma_start3A_126 : memref<1x128xf32, #tpu.memory_space<vmem>> -> memref<128xf32, #tpu.memory_space<vmem>>
          %dma_start3A_128 = arith.constant 0 : i32
          %dma_start3A_129 = tpu.memref_slice %arg11[%scan3A_125, %dma_start3A_128] : memref<98x128xi32, #tpu.memory_space<vmem>> -> memref<1x128xi32, #tpu.memory_space<vmem>>
          %dma_start3A_130 = tpu.memref_squeeze %dma_start3A_129 : memref<1x128xi32, #tpu.memory_space<vmem>> -> memref<128xi32, #tpu.memory_space<vmem>>
          %dma_start3A_131 = arith.constant 0 : i32
          %dma_start3A_132 = tpu.memref_slice %arg13[%dma_start3A_131] : memref<123136xf32, #tpu.memory_space<vmem_shared>> -> memref<123136xf32, #tpu.memory_space<vmem_shared>>
          tpu.enqueue_indirect_dma source(%dma_start3A_127 : memref<128xf32, #tpu.memory_space<vmem>>) target(%dma_start3A_132 : memref<123136xf32, #tpu.memory_space<vmem_shared>>) offsets(%dma_start3A_130 : memref<128xi32, #tpu.memory_space<vmem>>) semaphore(%run_scoped3A : memref<!tpu.dma_semaphore, #tpu.memory_space<semaphore_mem>>)
          %dma_wait3A = arith.constant 0 : i32
          %dma_wait3A_133 = tpu.memref_slice %arg12[%scan3A_125, %dma_wait3A] : memref<98x128xf32, #tpu.memory_space<vmem>> -> memref<1x128xf32, #tpu.memory_space<vmem>>
          %dma_wait3A_134 = tpu.memref_squeeze %dma_wait3A_133 : memref<1x128xf32, #tpu.memory_space<vmem>> -> memref<128xf32, #tpu.memory_space<vmem>>
          %dma_wait3A_135 = arith.constant 0 : i32
          %dma_wait3A_136 = tpu.memref_slice %arg11[%scan3A_125, %dma_wait3A_135] : memref<98x128xi32, #tpu.memory_space<vmem>> -> memref<1x128xi32, #tpu.memory_space<vmem>>
          %dma_wait3A_137 = tpu.memref_squeeze %dma_wait3A_136 : memref<1x128xi32, #tpu.memory_space<vmem>> -> memref<128xi32, #tpu.memory_space<vmem>>
          %dma_wait3A_138 = arith.constant 0 : i32
          %dma_wait3A_139 = tpu.memref_slice %arg13[%dma_wait3A_138] : memref<123136xf32, #tpu.memory_space<vmem_shared>> -> memref<123136xf32, #tpu.memory_space<vmem_shared>>
          tpu.wait_indirect_dma semaphore(%run_scoped3A : memref<!tpu.dma_semaphore, #tpu.memory_space<semaphore_mem>>) src(%dma_wait3A_134 : memref<128xf32, #tpu.memory_space<vmem>>) dst(%dma_wait3A_139 : memref<123136xf32, #tpu.memory_space<vmem_shared>>)
          tpu.yield
        }) : () -> ()
      }
      %scan3A_124 = arith.constant 98 : i32
    } else {
    }
    %barrier3A_41 = arith.constant 0 : index
    tpu.barrier barrier_id(%barrier3A_41)
    %eq3A_42 = arith.constant 4 : i32
    %eq3A_43 = arith.cmpi eq, %arg1, %eq3A_42 : i32
    %convert_element_type3A_44 = arith.extui %eq3A_43 : i1 to i32
    %cond3A_45 = arith.constant 0 : i32
    %cond3A_46 = arith.cmpi ne, %convert_element_type3A_44, %cond3A_45 : i32
    scf.if %cond3A_46 {
      %scan3A_119 = arith.constant 0 : i32
      %scan3A_120 = arith.constant 0 : i32
      %scan3A_121 = arith.constant 98 : i32
      %scan3A_122 = arith.addi %scan3A_120, %scan3A_121 : i32
      %scan3A_123 = arith.constant 1 : i32
      scf.for %scan3A_125 = %scan3A_120 to %scan3A_122 step %scan3A_123  : i32 {
        "tpu.region"() ({
          %run_scoped3A = tpu.sem_alloc : memref<!tpu.dma_semaphore, #tpu.memory_space<semaphore_mem>>
          %dma_start3A = arith.constant 0 : i32
          %dma_start3A_126 = tpu.memref_slice %arg12[%scan3A_125, %dma_start3A] : memref<98x128xf32, #tpu.memory_space<vmem>> -> memref<1x128xf32, #tpu.memory_space<vmem>>
          %dma_start3A_127 = tpu.memref_squeeze %dma_start3A_126 : memref<1x128xf32, #tpu.memory_space<vmem>> -> memref<128xf32, #tpu.memory_space<vmem>>
          %dma_start3A_128 = arith.constant 0 : i32
          %dma_start3A_129 = tpu.memref_slice %arg11[%scan3A_125, %dma_start3A_128] : memref<98x128xi32, #tpu.memory_space<vmem>> -> memref<1x128xi32, #tpu.memory_space<vmem>>
          %dma_start3A_130 = tpu.memref_squeeze %dma_start3A_129 : memref<1x128xi32, #tpu.memory_space<vmem>> -> memref<128xi32, #tpu.memory_space<vmem>>
          %dma_start3A_131 = arith.constant 0 : i32
          %dma_start3A_132 = tpu.memref_slice %arg13[%dma_start3A_131] : memref<123136xf32, #tpu.memory_space<vmem_shared>> -> memref<123136xf32, #tpu.memory_space<vmem_shared>>
          tpu.enqueue_indirect_dma source(%dma_start3A_127 : memref<128xf32, #tpu.memory_space<vmem>>) target(%dma_start3A_132 : memref<123136xf32, #tpu.memory_space<vmem_shared>>) offsets(%dma_start3A_130 : memref<128xi32, #tpu.memory_space<vmem>>) semaphore(%run_scoped3A : memref<!tpu.dma_semaphore, #tpu.memory_space<semaphore_mem>>)
          %dma_wait3A = arith.constant 0 : i32
          %dma_wait3A_133 = tpu.memref_slice %arg12[%scan3A_125, %dma_wait3A] : memref<98x128xf32, #tpu.memory_space<vmem>> -> memref<1x128xf32, #tpu.memory_space<vmem>>
          %dma_wait3A_134 = tpu.memref_squeeze %dma_wait3A_133 : memref<1x128xf32, #tpu.memory_space<vmem>> -> memref<128xf32, #tpu.memory_space<vmem>>
          %dma_wait3A_135 = arith.constant 0 : i32
          %dma_wait3A_136 = tpu.memref_slice %arg11[%scan3A_125, %dma_wait3A_135] : memref<98x128xi32, #tpu.memory_space<vmem>> -> memref<1x128xi32, #tpu.memory_space<vmem>>
          %dma_wait3A_137 = tpu.memref_squeeze %dma_wait3A_136 : memref<1x128xi32, #tpu.memory_space<vmem>> -> memref<128xi32, #tpu.memory_space<vmem>>
          %dma_wait3A_138 = arith.constant 0 : i32
          %dma_wait3A_139 = tpu.memref_slice %arg13[%dma_wait3A_138] : memref<123136xf32, #tpu.memory_space<vmem_shared>> -> memref<123136xf32, #tpu.memory_space<vmem_shared>>
          tpu.wait_indirect_dma semaphore(%run_scoped3A : memref<!tpu.dma_semaphore, #tpu.memory_space<semaphore_mem>>) src(%dma_wait3A_134 : memref<128xf32, #tpu.memory_space<vmem>>) dst(%dma_wait3A_139 : memref<123136xf32, #tpu.memory_space<vmem_shared>>)
          tpu.yield
        }) : () -> ()
      }
      %scan3A_124 = arith.constant 98 : i32
    } else {
    }
    %barrier3A_47 = arith.constant 0 : index
    tpu.barrier barrier_id(%barrier3A_47)
    %eq3A_48 = arith.constant 5 : i32
    %eq3A_49 = arith.cmpi eq, %arg1, %eq3A_48 : i32
    %convert_element_type3A_50 = arith.extui %eq3A_49 : i1 to i32
    %cond3A_51 = arith.constant 0 : i32
    %cond3A_52 = arith.cmpi ne, %convert_element_type3A_50, %cond3A_51 : i32
    scf.if %cond3A_52 {
      %scan3A_119 = arith.constant 0 : i32
      %scan3A_120 = arith.constant 0 : i32
      %scan3A_121 = arith.constant 98 : i32
      %scan3A_122 = arith.addi %scan3A_120, %scan3A_121 : i32
      %scan3A_123 = arith.constant 1 : i32
      scf.for %scan3A_125 = %scan3A_120 to %scan3A_122 step %scan3A_123  : i32 {
        "tpu.region"() ({
          %run_scoped3A = tpu.sem_alloc : memref<!tpu.dma_semaphore, #tpu.memory_space<semaphore_mem>>
          %dma_start3A = arith.constant 0 : i32
          %dma_start3A_126 = tpu.memref_slice %arg12[%scan3A_125, %dma_start3A] : memref<98x128xf32, #tpu.memory_space<vmem>> -> memref<1x128xf32, #tpu.memory_space<vmem>>
          %dma_start3A_127 = tpu.memref_squeeze %dma_start3A_126 : memref<1x128xf32, #tpu.memory_space<vmem>> -> memref<128xf32, #tpu.memory_space<vmem>>
          %dma_start3A_128 = arith.constant 0 : i32
          %dma_start3A_129 = tpu.memref_slice %arg11[%scan3A_125, %dma_start3A_128] : memref<98x128xi32, #tpu.memory_space<vmem>> -> memref<1x128xi32, #tpu.memory_space<vmem>>
          %dma_start3A_130 = tpu.memref_squeeze %dma_start3A_129 : memref<1x128xi32, #tpu.memory_space<vmem>> -> memref<128xi32, #tpu.memory_space<vmem>>
          %dma_start3A_131 = arith.constant 0 : i32
          %dma_start3A_132 = tpu.memref_slice %arg13[%dma_start3A_131] : memref<123136xf32, #tpu.memory_space<vmem_shared>> -> memref<123136xf32, #tpu.memory_space<vmem_shared>>
          tpu.enqueue_indirect_dma source(%dma_start3A_127 : memref<128xf32, #tpu.memory_space<vmem>>) target(%dma_start3A_132 : memref<123136xf32, #tpu.memory_space<vmem_shared>>) offsets(%dma_start3A_130 : memref<128xi32, #tpu.memory_space<vmem>>) semaphore(%run_scoped3A : memref<!tpu.dma_semaphore, #tpu.memory_space<semaphore_mem>>)
          %dma_wait3A = arith.constant 0 : i32
          %dma_wait3A_133 = tpu.memref_slice %arg12[%scan3A_125, %dma_wait3A] : memref<98x128xf32, #tpu.memory_space<vmem>> -> memref<1x128xf32, #tpu.memory_space<vmem>>
          %dma_wait3A_134 = tpu.memref_squeeze %dma_wait3A_133 : memref<1x128xf32, #tpu.memory_space<vmem>> -> memref<128xf32, #tpu.memory_space<vmem>>
          %dma_wait3A_135 = arith.constant 0 : i32
          %dma_wait3A_136 = tpu.memref_slice %arg11[%scan3A_125, %dma_wait3A_135] : memref<98x128xi32, #tpu.memory_space<vmem>> -> memref<1x128xi32, #tpu.memory_space<vmem>>
          %dma_wait3A_137 = tpu.memref_squeeze %dma_wait3A_136 : memref<1x128xi32, #tpu.memory_space<vmem>> -> memref<128xi32, #tpu.memory_space<vmem>>
          %dma_wait3A_138 = arith.constant 0 : i32
          %dma_wait3A_139 = tpu.memref_slice %arg13[%dma_wait3A_138] : memref<123136xf32, #tpu.memory_space<vmem_shared>> -> memref<123136xf32, #tpu.memory_space<vmem_shared>>
          tpu.wait_indirect_dma semaphore(%run_scoped3A : memref<!tpu.dma_semaphore, #tpu.memory_space<semaphore_mem>>) src(%dma_wait3A_134 : memref<128xf32, #tpu.memory_space<vmem>>) dst(%dma_wait3A_139 : memref<123136xf32, #tpu.memory_space<vmem_shared>>)
          tpu.yield
        }) : () -> ()
      }
      %scan3A_124 = arith.constant 98 : i32
    } else {
    }
    %barrier3A_53 = arith.constant 0 : index
    tpu.barrier barrier_id(%barrier3A_53)
    %eq3A_54 = arith.constant 6 : i32
    %eq3A_55 = arith.cmpi eq, %arg1, %eq3A_54 : i32
    %convert_element_type3A_56 = arith.extui %eq3A_55 : i1 to i32
    %cond3A_57 = arith.constant 0 : i32
    %cond3A_58 = arith.cmpi ne, %convert_element_type3A_56, %cond3A_57 : i32
    scf.if %cond3A_58 {
      %scan3A_119 = arith.constant 0 : i32
      %scan3A_120 = arith.constant 0 : i32
      %scan3A_121 = arith.constant 98 : i32
      %scan3A_122 = arith.addi %scan3A_120, %scan3A_121 : i32
      %scan3A_123 = arith.constant 1 : i32
      scf.for %scan3A_125 = %scan3A_120 to %scan3A_122 step %scan3A_123  : i32 {
        "tpu.region"() ({
          %run_scoped3A = tpu.sem_alloc : memref<!tpu.dma_semaphore, #tpu.memory_space<semaphore_mem>>
          %dma_start3A = arith.constant 0 : i32
          %dma_start3A_126 = tpu.memref_slice %arg12[%scan3A_125, %dma_start3A] : memref<98x128xf32, #tpu.memory_space<vmem>> -> memref<1x128xf32, #tpu.memory_space<vmem>>
          %dma_start3A_127 = tpu.memref_squeeze %dma_start3A_126 : memref<1x128xf32, #tpu.memory_space<vmem>> -> memref<128xf32, #tpu.memory_space<vmem>>
          %dma_start3A_128 = arith.constant 0 : i32
          %dma_start3A_129 = tpu.memref_slice %arg11[%scan3A_125, %dma_start3A_128] : memref<98x128xi32, #tpu.memory_space<vmem>> -> memref<1x128xi32, #tpu.memory_space<vmem>>
          %dma_start3A_130 = tpu.memref_squeeze %dma_start3A_129 : memref<1x128xi32, #tpu.memory_space<vmem>> -> memref<128xi32, #tpu.memory_space<vmem>>
          %dma_start3A_131 = arith.constant 0 : i32
          %dma_start3A_132 = tpu.memref_slice %arg13[%dma_start3A_131] : memref<123136xf32, #tpu.memory_space<vmem_shared>> -> memref<123136xf32, #tpu.memory_space<vmem_shared>>
          tpu.enqueue_indirect_dma source(%dma_start3A_127 : memref<128xf32, #tpu.memory_space<vmem>>) target(%dma_start3A_132 : memref<123136xf32, #tpu.memory_space<vmem_shared>>) offsets(%dma_start3A_130 : memref<128xi32, #tpu.memory_space<vmem>>) semaphore(%run_scoped3A : memref<!tpu.dma_semaphore, #tpu.memory_space<semaphore_mem>>)
          %dma_wait3A = arith.constant 0 : i32
          %dma_wait3A_133 = tpu.memref_slice %arg12[%scan3A_125, %dma_wait3A] : memref<98x128xf32, #tpu.memory_space<vmem>> -> memref<1x128xf32, #tpu.memory_space<vmem>>
          %dma_wait3A_134 = tpu.memref_squeeze %dma_wait3A_133 : memref<1x128xf32, #tpu.memory_space<vmem>> -> memref<128xf32, #tpu.memory_space<vmem>>
          %dma_wait3A_135 = arith.constant 0 : i32
          %dma_wait3A_136 = tpu.memref_slice %arg11[%scan3A_125, %dma_wait3A_135] : memref<98x128xi32, #tpu.memory_space<vmem>> -> memref<1x128xi32, #tpu.memory_space<vmem>>
          %dma_wait3A_137 = tpu.memref_squeeze %dma_wait3A_136 : memref<1x128xi32, #tpu.memory_space<vmem>> -> memref<128xi32, #tpu.memory_space<vmem>>
          %dma_wait3A_138 = arith.constant 0 : i32
          %dma_wait3A_139 = tpu.memref_slice %arg13[%dma_wait3A_138] : memref<123136xf32, #tpu.memory_space<vmem_shared>> -> memref<123136xf32, #tpu.memory_space<vmem_shared>>
          tpu.wait_indirect_dma semaphore(%run_scoped3A : memref<!tpu.dma_semaphore, #tpu.memory_space<semaphore_mem>>) src(%dma_wait3A_134 : memref<128xf32, #tpu.memory_space<vmem>>) dst(%dma_wait3A_139 : memref<123136xf32, #tpu.memory_space<vmem_shared>>)
          tpu.yield
        }) : () -> ()
      }
      %scan3A_124 = arith.constant 98 : i32
    } else {
    }
    %barrier3A_59 = arith.constant 0 : index
    tpu.barrier barrier_id(%barrier3A_59)
    %eq3A_60 = arith.constant 7 : i32
    %eq3A_61 = arith.cmpi eq, %arg1, %eq3A_60 : i32
    %convert_element_type3A_62 = arith.extui %eq3A_61 : i1 to i32
    %cond3A_63 = arith.constant 0 : i32
    %cond3A_64 = arith.cmpi ne, %convert_element_type3A_62, %cond3A_63 : i32
    scf.if %cond3A_64 {
      %scan3A_119 = arith.constant 0 : i32
      %scan3A_120 = arith.constant 0 : i32
      %scan3A_121 = arith.constant 98 : i32
      %scan3A_122 = arith.addi %scan3A_120, %scan3A_121 : i32
      %scan3A_123 = arith.constant 1 : i32
      scf.for %scan3A_125 = %scan3A_120 to %scan3A_122 step %scan3A_123  : i32 {
        "tpu.region"() ({
          %run_scoped3A = tpu.sem_alloc : memref<!tpu.dma_semaphore, #tpu.memory_space<semaphore_mem>>
          %dma_start3A = arith.constant 0 : i32
          %dma_start3A_126 = tpu.memref_slice %arg12[%scan3A_125, %dma_start3A] : memref<98x128xf32, #tpu.memory_space<vmem>> -> memref<1x128xf32, #tpu.memory_space<vmem>>
          %dma_start3A_127 = tpu.memref_squeeze %dma_start3A_126 : memref<1x128xf32, #tpu.memory_space<vmem>> -> memref<128xf32, #tpu.memory_space<vmem>>
          %dma_start3A_128 = arith.constant 0 : i32
          %dma_start3A_129 = tpu.memref_slice %arg11[%scan3A_125, %dma_start3A_128] : memref<98x128xi32, #tpu.memory_space<vmem>> -> memref<1x128xi32, #tpu.memory_space<vmem>>
          %dma_start3A_130 = tpu.memref_squeeze %dma_start3A_129 : memref<1x128xi32, #tpu.memory_space<vmem>> -> memref<128xi32, #tpu.memory_space<vmem>>
          %dma_start3A_131 = arith.constant 0 : i32
          %dma_start3A_132 = tpu.memref_slice %arg13[%dma_start3A_131] : memref<123136xf32, #tpu.memory_space<vmem_shared>> -> memref<123136xf32, #tpu.memory_space<vmem_shared>>
          tpu.enqueue_indirect_dma source(%dma_start3A_127 : memref<128xf32, #tpu.memory_space<vmem>>) target(%dma_start3A_132 : memref<123136xf32, #tpu.memory_space<vmem_shared>>) offsets(%dma_start3A_130 : memref<128xi32, #tpu.memory_space<vmem>>) semaphore(%run_scoped3A : memref<!tpu.dma_semaphore, #tpu.memory_space<semaphore_mem>>)
          %dma_wait3A = arith.constant 0 : i32
          %dma_wait3A_133 = tpu.memref_slice %arg12[%scan3A_125, %dma_wait3A] : memref<98x128xf32, #tpu.memory_space<vmem>> -> memref<1x128xf32, #tpu.memory_space<vmem>>
          %dma_wait3A_134 = tpu.memref_squeeze %dma_wait3A_133 : memref<1x128xf32, #tpu.memory_space<vmem>> -> memref<128xf32, #tpu.memory_space<vmem>>
          %dma_wait3A_135 = arith.constant 0 : i32
          %dma_wait3A_136 = tpu.memref_slice %arg11[%scan3A_125, %dma_wait3A_135] : memref<98x128xi32, #tpu.memory_space<vmem>> -> memref<1x128xi32, #tpu.memory_space<vmem>>
          %dma_wait3A_137 = tpu.memref_squeeze %dma_wait3A_136 : memref<1x128xi32, #tpu.memory_space<vmem>> -> memref<128xi32, #tpu.memory_space<vmem>>
          %dma_wait3A_138 = arith.constant 0 : i32
          %dma_wait3A_139 = tpu.memref_slice %arg13[%dma_wait3A_138] : memref<123136xf32, #tpu.memory_space<vmem_shared>> -> memref<123136xf32, #tpu.memory_space<vmem_shared>>
          tpu.wait_indirect_dma semaphore(%run_scoped3A : memref<!tpu.dma_semaphore, #tpu.memory_space<semaphore_mem>>) src(%dma_wait3A_134 : memref<128xf32, #tpu.memory_space<vmem>>) dst(%dma_wait3A_139 : memref<123136xf32, #tpu.memory_space<vmem_shared>>)
          tpu.yield
        }) : () -> ()
      }
      %scan3A_124 = arith.constant 98 : i32
    } else {
    }
    %barrier3A_65 = arith.constant 0 : index
    tpu.barrier barrier_id(%barrier3A_65)
    %eq3A_66 = arith.constant 8 : i32
    %eq3A_67 = arith.cmpi eq, %arg1, %eq3A_66 : i32
    %convert_element_type3A_68 = arith.extui %eq3A_67 : i1 to i32
    %cond3A_69 = arith.constant 0 : i32
    %cond3A_70 = arith.cmpi ne, %convert_element_type3A_68, %cond3A_69 : i32
    scf.if %cond3A_70 {
      %scan3A_119 = arith.constant 0 : i32
      %scan3A_120 = arith.constant 0 : i32
      %scan3A_121 = arith.constant 98 : i32
      %scan3A_122 = arith.addi %scan3A_120, %scan3A_121 : i32
      %scan3A_123 = arith.constant 1 : i32
      scf.for %scan3A_125 = %scan3A_120 to %scan3A_122 step %scan3A_123  : i32 {
        "tpu.region"() ({
          %run_scoped3A = tpu.sem_alloc : memref<!tpu.dma_semaphore, #tpu.memory_space<semaphore_mem>>
          %dma_start3A = arith.constant 0 : i32
          %dma_start3A_126 = tpu.memref_slice %arg12[%scan3A_125, %dma_start3A] : memref<98x128xf32, #tpu.memory_space<vmem>> -> memref<1x128xf32, #tpu.memory_space<vmem>>
          %dma_start3A_127 = tpu.memref_squeeze %dma_start3A_126 : memref<1x128xf32, #tpu.memory_space<vmem>> -> memref<128xf32, #tpu.memory_space<vmem>>
          %dma_start3A_128 = arith.constant 0 : i32
          %dma_start3A_129 = tpu.memref_slice %arg11[%scan3A_125, %dma_start3A_128] : memref<98x128xi32, #tpu.memory_space<vmem>> -> memref<1x128xi32, #tpu.memory_space<vmem>>
          %dma_start3A_130 = tpu.memref_squeeze %dma_start3A_129 : memref<1x128xi32, #tpu.memory_space<vmem>> -> memref<128xi32, #tpu.memory_space<vmem>>
          %dma_start3A_131 = arith.constant 0 : i32
          %dma_start3A_132 = tpu.memref_slice %arg13[%dma_start3A_131] : memref<123136xf32, #tpu.memory_space<vmem_shared>> -> memref<123136xf32, #tpu.memory_space<vmem_shared>>
          tpu.enqueue_indirect_dma source(%dma_start3A_127 : memref<128xf32, #tpu.memory_space<vmem>>) target(%dma_start3A_132 : memref<123136xf32, #tpu.memory_space<vmem_shared>>) offsets(%dma_start3A_130 : memref<128xi32, #tpu.memory_space<vmem>>) semaphore(%run_scoped3A : memref<!tpu.dma_semaphore, #tpu.memory_space<semaphore_mem>>)
          %dma_wait3A = arith.constant 0 : i32
          %dma_wait3A_133 = tpu.memref_slice %arg12[%scan3A_125, %dma_wait3A] : memref<98x128xf32, #tpu.memory_space<vmem>> -> memref<1x128xf32, #tpu.memory_space<vmem>>
          %dma_wait3A_134 = tpu.memref_squeeze %dma_wait3A_133 : memref<1x128xf32, #tpu.memory_space<vmem>> -> memref<128xf32, #tpu.memory_space<vmem>>
          %dma_wait3A_135 = arith.constant 0 : i32
          %dma_wait3A_136 = tpu.memref_slice %arg11[%scan3A_125, %dma_wait3A_135] : memref<98x128xi32, #tpu.memory_space<vmem>> -> memref<1x128xi32, #tpu.memory_space<vmem>>
          %dma_wait3A_137 = tpu.memref_squeeze %dma_wait3A_136 : memref<1x128xi32, #tpu.memory_space<vmem>> -> memref<128xi32, #tpu.memory_space<vmem>>
          %dma_wait3A_138 = arith.constant 0 : i32
          %dma_wait3A_139 = tpu.memref_slice %arg13[%dma_wait3A_138] : memref<123136xf32, #tpu.memory_space<vmem_shared>> -> memref<123136xf32, #tpu.memory_space<vmem_shared>>
          tpu.wait_indirect_dma semaphore(%run_scoped3A : memref<!tpu.dma_semaphore, #tpu.memory_space<semaphore_mem>>) src(%dma_wait3A_134 : memref<128xf32, #tpu.memory_space<vmem>>) dst(%dma_wait3A_139 : memref<123136xf32, #tpu.memory_space<vmem_shared>>)
          tpu.yield
        }) : () -> ()
      }
      %scan3A_124 = arith.constant 98 : i32
    } else {
    }
    %barrier3A_71 = arith.constant 0 : index
    tpu.barrier barrier_id(%barrier3A_71)
    %eq3A_72 = arith.constant 9 : i32
    %eq3A_73 = arith.cmpi eq, %arg1, %eq3A_72 : i32
    %convert_element_type3A_74 = arith.extui %eq3A_73 : i1 to i32
    %cond3A_75 = arith.constant 0 : i32
    %cond3A_76 = arith.cmpi ne, %convert_element_type3A_74, %cond3A_75 : i32
    scf.if %cond3A_76 {
      %scan3A_119 = arith.constant 0 : i32
      %scan3A_120 = arith.constant 0 : i32
      %scan3A_121 = arith.constant 98 : i32
      %scan3A_122 = arith.addi %scan3A_120, %scan3A_121 : i32
      %scan3A_123 = arith.constant 1 : i32
      scf.for %scan3A_125 = %scan3A_120 to %scan3A_122 step %scan3A_123  : i32 {
        "tpu.region"() ({
          %run_scoped3A = tpu.sem_alloc : memref<!tpu.dma_semaphore, #tpu.memory_space<semaphore_mem>>
          %dma_start3A = arith.constant 0 : i32
          %dma_start3A_126 = tpu.memref_slice %arg12[%scan3A_125, %dma_start3A] : memref<98x128xf32, #tpu.memory_space<vmem>> -> memref<1x128xf32, #tpu.memory_space<vmem>>
          %dma_start3A_127 = tpu.memref_squeeze %dma_start3A_126 : memref<1x128xf32, #tpu.memory_space<vmem>> -> memref<128xf32, #tpu.memory_space<vmem>>
          %dma_start3A_128 = arith.constant 0 : i32
          %dma_start3A_129 = tpu.memref_slice %arg11[%scan3A_125, %dma_start3A_128] : memref<98x128xi32, #tpu.memory_space<vmem>> -> memref<1x128xi32, #tpu.memory_space<vmem>>
          %dma_start3A_130 = tpu.memref_squeeze %dma_start3A_129 : memref<1x128xi32, #tpu.memory_space<vmem>> -> memref<128xi32, #tpu.memory_space<vmem>>
          %dma_start3A_131 = arith.constant 0 : i32
          %dma_start3A_132 = tpu.memref_slice %arg13[%dma_start3A_131] : memref<123136xf32, #tpu.memory_space<vmem_shared>> -> memref<123136xf32, #tpu.memory_space<vmem_shared>>
          tpu.enqueue_indirect_dma source(%dma_start3A_127 : memref<128xf32, #tpu.memory_space<vmem>>) target(%dma_start3A_132 : memref<123136xf32, #tpu.memory_space<vmem_shared>>) offsets(%dma_start3A_130 : memref<128xi32, #tpu.memory_space<vmem>>) semaphore(%run_scoped3A : memref<!tpu.dma_semaphore, #tpu.memory_space<semaphore_mem>>)
          %dma_wait3A = arith.constant 0 : i32
          %dma_wait3A_133 = tpu.memref_slice %arg12[%scan3A_125, %dma_wait3A] : memref<98x128xf32, #tpu.memory_space<vmem>> -> memref<1x128xf32, #tpu.memory_space<vmem>>
          %dma_wait3A_134 = tpu.memref_squeeze %dma_wait3A_133 : memref<1x128xf32, #tpu.memory_space<vmem>> -> memref<128xf32, #tpu.memory_space<vmem>>
          %dma_wait3A_135 = arith.constant 0 : i32
          %dma_wait3A_136 = tpu.memref_slice %arg11[%scan3A_125, %dma_wait3A_135] : memref<98x128xi32, #tpu.memory_space<vmem>> -> memref<1x128xi32, #tpu.memory_space<vmem>>
          %dma_wait3A_137 = tpu.memref_squeeze %dma_wait3A_136 : memref<1x128xi32, #tpu.memory_space<vmem>> -> memref<128xi32, #tpu.memory_space<vmem>>
          %dma_wait3A_138 = arith.constant 0 : i32
          %dma_wait3A_139 = tpu.memref_slice %arg13[%dma_wait3A_138] : memref<123136xf32, #tpu.memory_space<vmem_shared>> -> memref<123136xf32, #tpu.memory_space<vmem_shared>>
          tpu.wait_indirect_dma semaphore(%run_scoped3A : memref<!tpu.dma_semaphore, #tpu.memory_space<semaphore_mem>>) src(%dma_wait3A_134 : memref<128xf32, #tpu.memory_space<vmem>>) dst(%dma_wait3A_139 : memref<123136xf32, #tpu.memory_space<vmem_shared>>)
          tpu.yield
        }) : () -> ()
      }
      %scan3A_124 = arith.constant 98 : i32
    } else {
    }
    %barrier3A_77 = arith.constant 0 : index
    tpu.barrier barrier_id(%barrier3A_77)
    %eq3A_78 = arith.constant 10 : i32
    %eq3A_79 = arith.cmpi eq, %arg1, %eq3A_78 : i32
    %convert_element_type3A_80 = arith.extui %eq3A_79 : i1 to i32
    %cond3A_81 = arith.constant 0 : i32
    %cond3A_82 = arith.cmpi ne, %convert_element_type3A_80, %cond3A_81 : i32
    scf.if %cond3A_82 {
      %scan3A_119 = arith.constant 0 : i32
      %scan3A_120 = arith.constant 0 : i32
      %scan3A_121 = arith.constant 98 : i32
      %scan3A_122 = arith.addi %scan3A_120, %scan3A_121 : i32
      %scan3A_123 = arith.constant 1 : i32
      scf.for %scan3A_125 = %scan3A_120 to %scan3A_122 step %scan3A_123  : i32 {
        "tpu.region"() ({
          %run_scoped3A = tpu.sem_alloc : memref<!tpu.dma_semaphore, #tpu.memory_space<semaphore_mem>>
          %dma_start3A = arith.constant 0 : i32
          %dma_start3A_126 = tpu.memref_slice %arg12[%scan3A_125, %dma_start3A] : memref<98x128xf32, #tpu.memory_space<vmem>> -> memref<1x128xf32, #tpu.memory_space<vmem>>
          %dma_start3A_127 = tpu.memref_squeeze %dma_start3A_126 : memref<1x128xf32, #tpu.memory_space<vmem>> -> memref<128xf32, #tpu.memory_space<vmem>>
          %dma_start3A_128 = arith.constant 0 : i32
          %dma_start3A_129 = tpu.memref_slice %arg11[%scan3A_125, %dma_start3A_128] : memref<98x128xi32, #tpu.memory_space<vmem>> -> memref<1x128xi32, #tpu.memory_space<vmem>>
          %dma_start3A_130 = tpu.memref_squeeze %dma_start3A_129 : memref<1x128xi32, #tpu.memory_space<vmem>> -> memref<128xi32, #tpu.memory_space<vmem>>
          %dma_start3A_131 = arith.constant 0 : i32
          %dma_start3A_132 = tpu.memref_slice %arg13[%dma_start3A_131] : memref<123136xf32, #tpu.memory_space<vmem_shared>> -> memref<123136xf32, #tpu.memory_space<vmem_shared>>
          tpu.enqueue_indirect_dma source(%dma_start3A_127 : memref<128xf32, #tpu.memory_space<vmem>>) target(%dma_start3A_132 : memref<123136xf32, #tpu.memory_space<vmem_shared>>) offsets(%dma_start3A_130 : memref<128xi32, #tpu.memory_space<vmem>>) semaphore(%run_scoped3A : memref<!tpu.dma_semaphore, #tpu.memory_space<semaphore_mem>>)
          %dma_wait3A = arith.constant 0 : i32
          %dma_wait3A_133 = tpu.memref_slice %arg12[%scan3A_125, %dma_wait3A] : memref<98x128xf32, #tpu.memory_space<vmem>> -> memref<1x128xf32, #tpu.memory_space<vmem>>
          %dma_wait3A_134 = tpu.memref_squeeze %dma_wait3A_133 : memref<1x128xf32, #tpu.memory_space<vmem>> -> memref<128xf32, #tpu.memory_space<vmem>>
          %dma_wait3A_135 = arith.constant 0 : i32
          %dma_wait3A_136 = tpu.memref_slice %arg11[%scan3A_125, %dma_wait3A_135] : memref<98x128xi32, #tpu.memory_space<vmem>> -> memref<1x128xi32, #tpu.memory_space<vmem>>
          %dma_wait3A_137 = tpu.memref_squeeze %dma_wait3A_136 : memref<1x128xi32, #tpu.memory_space<vmem>> -> memref<128xi32, #tpu.memory_space<vmem>>
          %dma_wait3A_138 = arith.constant 0 : i32
          %dma_wait3A_139 = tpu.memref_slice %arg13[%dma_wait3A_138] : memref<123136xf32, #tpu.memory_space<vmem_shared>> -> memref<123136xf32, #tpu.memory_space<vmem_shared>>
          tpu.wait_indirect_dma semaphore(%run_scoped3A : memref<!tpu.dma_semaphore, #tpu.memory_space<semaphore_mem>>) src(%dma_wait3A_134 : memref<128xf32, #tpu.memory_space<vmem>>) dst(%dma_wait3A_139 : memref<123136xf32, #tpu.memory_space<vmem_shared>>)
          tpu.yield
        }) : () -> ()
      }
      %scan3A_124 = arith.constant 98 : i32
    } else {
    }
    %barrier3A_83 = arith.constant 0 : index
    tpu.barrier barrier_id(%barrier3A_83)
    %eq3A_84 = arith.constant 11 : i32
    %eq3A_85 = arith.cmpi eq, %arg1, %eq3A_84 : i32
    %convert_element_type3A_86 = arith.extui %eq3A_85 : i1 to i32
    %cond3A_87 = arith.constant 0 : i32
    %cond3A_88 = arith.cmpi ne, %convert_element_type3A_86, %cond3A_87 : i32
    scf.if %cond3A_88 {
      %scan3A_119 = arith.constant 0 : i32
      %scan3A_120 = arith.constant 0 : i32
      %scan3A_121 = arith.constant 98 : i32
      %scan3A_122 = arith.addi %scan3A_120, %scan3A_121 : i32
      %scan3A_123 = arith.constant 1 : i32
      scf.for %scan3A_125 = %scan3A_120 to %scan3A_122 step %scan3A_123  : i32 {
        "tpu.region"() ({
          %run_scoped3A = tpu.sem_alloc : memref<!tpu.dma_semaphore, #tpu.memory_space<semaphore_mem>>
          %dma_start3A = arith.constant 0 : i32
          %dma_start3A_126 = tpu.memref_slice %arg12[%scan3A_125, %dma_start3A] : memref<98x128xf32, #tpu.memory_space<vmem>> -> memref<1x128xf32, #tpu.memory_space<vmem>>
          %dma_start3A_127 = tpu.memref_squeeze %dma_start3A_126 : memref<1x128xf32, #tpu.memory_space<vmem>> -> memref<128xf32, #tpu.memory_space<vmem>>
          %dma_start3A_128 = arith.constant 0 : i32
          %dma_start3A_129 = tpu.memref_slice %arg11[%scan3A_125, %dma_start3A_128] : memref<98x128xi32, #tpu.memory_space<vmem>> -> memref<1x128xi32, #tpu.memory_space<vmem>>
          %dma_start3A_130 = tpu.memref_squeeze %dma_start3A_129 : memref<1x128xi32, #tpu.memory_space<vmem>> -> memref<128xi32, #tpu.memory_space<vmem>>
          %dma_start3A_131 = arith.constant 0 : i32
          %dma_start3A_132 = tpu.memref_slice %arg13[%dma_start3A_131] : memref<123136xf32, #tpu.memory_space<vmem_shared>> -> memref<123136xf32, #tpu.memory_space<vmem_shared>>
          tpu.enqueue_indirect_dma source(%dma_start3A_127 : memref<128xf32, #tpu.memory_space<vmem>>) target(%dma_start3A_132 : memref<123136xf32, #tpu.memory_space<vmem_shared>>) offsets(%dma_start3A_130 : memref<128xi32, #tpu.memory_space<vmem>>) semaphore(%run_scoped3A : memref<!tpu.dma_semaphore, #tpu.memory_space<semaphore_mem>>)
          %dma_wait3A = arith.constant 0 : i32
          %dma_wait3A_133 = tpu.memref_slice %arg12[%scan3A_125, %dma_wait3A] : memref<98x128xf32, #tpu.memory_space<vmem>> -> memref<1x128xf32, #tpu.memory_space<vmem>>
          %dma_wait3A_134 = tpu.memref_squeeze %dma_wait3A_133 : memref<1x128xf32, #tpu.memory_space<vmem>> -> memref<128xf32, #tpu.memory_space<vmem>>
          %dma_wait3A_135 = arith.constant 0 : i32
          %dma_wait3A_136 = tpu.memref_slice %arg11[%scan3A_125, %dma_wait3A_135] : memref<98x128xi32, #tpu.memory_space<vmem>> -> memref<1x128xi32, #tpu.memory_space<vmem>>
          %dma_wait3A_137 = tpu.memref_squeeze %dma_wait3A_136 : memref<1x128xi32, #tpu.memory_space<vmem>> -> memref<128xi32, #tpu.memory_space<vmem>>
          %dma_wait3A_138 = arith.constant 0 : i32
          %dma_wait3A_139 = tpu.memref_slice %arg13[%dma_wait3A_138] : memref<123136xf32, #tpu.memory_space<vmem_shared>> -> memref<123136xf32, #tpu.memory_space<vmem_shared>>
          tpu.wait_indirect_dma semaphore(%run_scoped3A : memref<!tpu.dma_semaphore, #tpu.memory_space<semaphore_mem>>) src(%dma_wait3A_134 : memref<128xf32, #tpu.memory_space<vmem>>) dst(%dma_wait3A_139 : memref<123136xf32, #tpu.memory_space<vmem_shared>>)
          tpu.yield
        }) : () -> ()
      }
      %scan3A_124 = arith.constant 98 : i32
    } else {
    }
    %barrier3A_89 = arith.constant 0 : index
    tpu.barrier barrier_id(%barrier3A_89)
    %eq3A_90 = arith.constant 12 : i32
    %eq3A_91 = arith.cmpi eq, %arg1, %eq3A_90 : i32
    %convert_element_type3A_92 = arith.extui %eq3A_91 : i1 to i32
    %cond3A_93 = arith.constant 0 : i32
    %cond3A_94 = arith.cmpi ne, %convert_element_type3A_92, %cond3A_93 : i32
    scf.if %cond3A_94 {
      %scan3A_119 = arith.constant 0 : i32
      %scan3A_120 = arith.constant 0 : i32
      %scan3A_121 = arith.constant 98 : i32
      %scan3A_122 = arith.addi %scan3A_120, %scan3A_121 : i32
      %scan3A_123 = arith.constant 1 : i32
      scf.for %scan3A_125 = %scan3A_120 to %scan3A_122 step %scan3A_123  : i32 {
        "tpu.region"() ({
          %run_scoped3A = tpu.sem_alloc : memref<!tpu.dma_semaphore, #tpu.memory_space<semaphore_mem>>
          %dma_start3A = arith.constant 0 : i32
          %dma_start3A_126 = tpu.memref_slice %arg12[%scan3A_125, %dma_start3A] : memref<98x128xf32, #tpu.memory_space<vmem>> -> memref<1x128xf32, #tpu.memory_space<vmem>>
          %dma_start3A_127 = tpu.memref_squeeze %dma_start3A_126 : memref<1x128xf32, #tpu.memory_space<vmem>> -> memref<128xf32, #tpu.memory_space<vmem>>
          %dma_start3A_128 = arith.constant 0 : i32
          %dma_start3A_129 = tpu.memref_slice %arg11[%scan3A_125, %dma_start3A_128] : memref<98x128xi32, #tpu.memory_space<vmem>> -> memref<1x128xi32, #tpu.memory_space<vmem>>
          %dma_start3A_130 = tpu.memref_squeeze %dma_start3A_129 : memref<1x128xi32, #tpu.memory_space<vmem>> -> memref<128xi32, #tpu.memory_space<vmem>>
          %dma_start3A_131 = arith.constant 0 : i32
          %dma_start3A_132 = tpu.memref_slice %arg13[%dma_start3A_131] : memref<123136xf32, #tpu.memory_space<vmem_shared>> -> memref<123136xf32, #tpu.memory_space<vmem_shared>>
          tpu.enqueue_indirect_dma source(%dma_start3A_127 : memref<128xf32, #tpu.memory_space<vmem>>) target(%dma_start3A_132 : memref<123136xf32, #tpu.memory_space<vmem_shared>>) offsets(%dma_start3A_130 : memref<128xi32, #tpu.memory_space<vmem>>) semaphore(%run_scoped3A : memref<!tpu.dma_semaphore, #tpu.memory_space<semaphore_mem>>)
          %dma_wait3A = arith.constant 0 : i32
          %dma_wait3A_133 = tpu.memref_slice %arg12[%scan3A_125, %dma_wait3A] : memref<98x128xf32, #tpu.memory_space<vmem>> -> memref<1x128xf32, #tpu.memory_space<vmem>>
          %dma_wait3A_134 = tpu.memref_squeeze %dma_wait3A_133 : memref<1x128xf32, #tpu.memory_space<vmem>> -> memref<128xf32, #tpu.memory_space<vmem>>
          %dma_wait3A_135 = arith.constant 0 : i32
          %dma_wait3A_136 = tpu.memref_slice %arg11[%scan3A_125, %dma_wait3A_135] : memref<98x128xi32, #tpu.memory_space<vmem>> -> memref<1x128xi32, #tpu.memory_space<vmem>>
          %dma_wait3A_137 = tpu.memref_squeeze %dma_wait3A_136 : memref<1x128xi32, #tpu.memory_space<vmem>> -> memref<128xi32, #tpu.memory_space<vmem>>
          %dma_wait3A_138 = arith.constant 0 : i32
          %dma_wait3A_139 = tpu.memref_slice %arg13[%dma_wait3A_138] : memref<123136xf32, #tpu.memory_space<vmem_shared>> -> memref<123136xf32, #tpu.memory_space<vmem_shared>>
          tpu.wait_indirect_dma semaphore(%run_scoped3A : memref<!tpu.dma_semaphore, #tpu.memory_space<semaphore_mem>>) src(%dma_wait3A_134 : memref<128xf32, #tpu.memory_space<vmem>>) dst(%dma_wait3A_139 : memref<123136xf32, #tpu.memory_space<vmem_shared>>)
          tpu.yield
        }) : () -> ()
      }
      %scan3A_124 = arith.constant 98 : i32
    } else {
    }
    %barrier3A_95 = arith.constant 0 : index
    tpu.barrier barrier_id(%barrier3A_95)
    %eq3A_96 = arith.constant 13 : i32
    %eq3A_97 = arith.cmpi eq, %arg1, %eq3A_96 : i32
    %convert_element_type3A_98 = arith.extui %eq3A_97 : i1 to i32
    %cond3A_99 = arith.constant 0 : i32
    %cond3A_100 = arith.cmpi ne, %convert_element_type3A_98, %cond3A_99 : i32
    scf.if %cond3A_100 {
      %scan3A_119 = arith.constant 0 : i32
      %scan3A_120 = arith.constant 0 : i32
      %scan3A_121 = arith.constant 98 : i32
      %scan3A_122 = arith.addi %scan3A_120, %scan3A_121 : i32
      %scan3A_123 = arith.constant 1 : i32
      scf.for %scan3A_125 = %scan3A_120 to %scan3A_122 step %scan3A_123  : i32 {
        "tpu.region"() ({
          %run_scoped3A = tpu.sem_alloc : memref<!tpu.dma_semaphore, #tpu.memory_space<semaphore_mem>>
          %dma_start3A = arith.constant 0 : i32
          %dma_start3A_126 = tpu.memref_slice %arg12[%scan3A_125, %dma_start3A] : memref<98x128xf32, #tpu.memory_space<vmem>> -> memref<1x128xf32, #tpu.memory_space<vmem>>
          %dma_start3A_127 = tpu.memref_squeeze %dma_start3A_126 : memref<1x128xf32, #tpu.memory_space<vmem>> -> memref<128xf32, #tpu.memory_space<vmem>>
          %dma_start3A_128 = arith.constant 0 : i32
          %dma_start3A_129 = tpu.memref_slice %arg11[%scan3A_125, %dma_start3A_128] : memref<98x128xi32, #tpu.memory_space<vmem>> -> memref<1x128xi32, #tpu.memory_space<vmem>>
          %dma_start3A_130 = tpu.memref_squeeze %dma_start3A_129 : memref<1x128xi32, #tpu.memory_space<vmem>> -> memref<128xi32, #tpu.memory_space<vmem>>
          %dma_start3A_131 = arith.constant 0 : i32
          %dma_start3A_132 = tpu.memref_slice %arg13[%dma_start3A_131] : memref<123136xf32, #tpu.memory_space<vmem_shared>> -> memref<123136xf32, #tpu.memory_space<vmem_shared>>
          tpu.enqueue_indirect_dma source(%dma_start3A_127 : memref<128xf32, #tpu.memory_space<vmem>>) target(%dma_start3A_132 : memref<123136xf32, #tpu.memory_space<vmem_shared>>) offsets(%dma_start3A_130 : memref<128xi32, #tpu.memory_space<vmem>>) semaphore(%run_scoped3A : memref<!tpu.dma_semaphore, #tpu.memory_space<semaphore_mem>>)
          %dma_wait3A = arith.constant 0 : i32
          %dma_wait3A_133 = tpu.memref_slice %arg12[%scan3A_125, %dma_wait3A] : memref<98x128xf32, #tpu.memory_space<vmem>> -> memref<1x128xf32, #tpu.memory_space<vmem>>
          %dma_wait3A_134 = tpu.memref_squeeze %dma_wait3A_133 : memref<1x128xf32, #tpu.memory_space<vmem>> -> memref<128xf32, #tpu.memory_space<vmem>>
          %dma_wait3A_135 = arith.constant 0 : i32
          %dma_wait3A_136 = tpu.memref_slice %arg11[%scan3A_125, %dma_wait3A_135] : memref<98x128xi32, #tpu.memory_space<vmem>> -> memref<1x128xi32, #tpu.memory_space<vmem>>
          %dma_wait3A_137 = tpu.memref_squeeze %dma_wait3A_136 : memref<1x128xi32, #tpu.memory_space<vmem>> -> memref<128xi32, #tpu.memory_space<vmem>>
          %dma_wait3A_138 = arith.constant 0 : i32
          %dma_wait3A_139 = tpu.memref_slice %arg13[%dma_wait3A_138] : memref<123136xf32, #tpu.memory_space<vmem_shared>> -> memref<123136xf32, #tpu.memory_space<vmem_shared>>
          tpu.wait_indirect_dma semaphore(%run_scoped3A : memref<!tpu.dma_semaphore, #tpu.memory_space<semaphore_mem>>) src(%dma_wait3A_134 : memref<128xf32, #tpu.memory_space<vmem>>) dst(%dma_wait3A_139 : memref<123136xf32, #tpu.memory_space<vmem_shared>>)
          tpu.yield
        }) : () -> ()
      }
      %scan3A_124 = arith.constant 98 : i32
    } else {
    }
    %barrier3A_101 = arith.constant 0 : index
    tpu.barrier barrier_id(%barrier3A_101)
    %eq3A_102 = arith.constant 14 : i32
    %eq3A_103 = arith.cmpi eq, %arg1, %eq3A_102 : i32
    %convert_element_type3A_104 = arith.extui %eq3A_103 : i1 to i32
    %cond3A_105 = arith.constant 0 : i32
    %cond3A_106 = arith.cmpi ne, %convert_element_type3A_104, %cond3A_105 : i32
    scf.if %cond3A_106 {
      %scan3A_119 = arith.constant 0 : i32
      %scan3A_120 = arith.constant 0 : i32
      %scan3A_121 = arith.constant 98 : i32
      %scan3A_122 = arith.addi %scan3A_120, %scan3A_121 : i32
      %scan3A_123 = arith.constant 1 : i32
      scf.for %scan3A_125 = %scan3A_120 to %scan3A_122 step %scan3A_123  : i32 {
        "tpu.region"() ({
          %run_scoped3A = tpu.sem_alloc : memref<!tpu.dma_semaphore, #tpu.memory_space<semaphore_mem>>
          %dma_start3A = arith.constant 0 : i32
          %dma_start3A_126 = tpu.memref_slice %arg12[%scan3A_125, %dma_start3A] : memref<98x128xf32, #tpu.memory_space<vmem>> -> memref<1x128xf32, #tpu.memory_space<vmem>>
          %dma_start3A_127 = tpu.memref_squeeze %dma_start3A_126 : memref<1x128xf32, #tpu.memory_space<vmem>> -> memref<128xf32, #tpu.memory_space<vmem>>
          %dma_start3A_128 = arith.constant 0 : i32
          %dma_start3A_129 = tpu.memref_slice %arg11[%scan3A_125, %dma_start3A_128] : memref<98x128xi32, #tpu.memory_space<vmem>> -> memref<1x128xi32, #tpu.memory_space<vmem>>
          %dma_start3A_130 = tpu.memref_squeeze %dma_start3A_129 : memref<1x128xi32, #tpu.memory_space<vmem>> -> memref<128xi32, #tpu.memory_space<vmem>>
          %dma_start3A_131 = arith.constant 0 : i32
          %dma_start3A_132 = tpu.memref_slice %arg13[%dma_start3A_131] : memref<123136xf32, #tpu.memory_space<vmem_shared>> -> memref<123136xf32, #tpu.memory_space<vmem_shared>>
          tpu.enqueue_indirect_dma source(%dma_start3A_127 : memref<128xf32, #tpu.memory_space<vmem>>) target(%dma_start3A_132 : memref<123136xf32, #tpu.memory_space<vmem_shared>>) offsets(%dma_start3A_130 : memref<128xi32, #tpu.memory_space<vmem>>) semaphore(%run_scoped3A : memref<!tpu.dma_semaphore, #tpu.memory_space<semaphore_mem>>)
          %dma_wait3A = arith.constant 0 : i32
          %dma_wait3A_133 = tpu.memref_slice %arg12[%scan3A_125, %dma_wait3A] : memref<98x128xf32, #tpu.memory_space<vmem>> -> memref<1x128xf32, #tpu.memory_space<vmem>>
          %dma_wait3A_134 = tpu.memref_squeeze %dma_wait3A_133 : memref<1x128xf32, #tpu.memory_space<vmem>> -> memref<128xf32, #tpu.memory_space<vmem>>
          %dma_wait3A_135 = arith.constant 0 : i32
          %dma_wait3A_136 = tpu.memref_slice %arg11[%scan3A_125, %dma_wait3A_135] : memref<98x128xi32, #tpu.memory_space<vmem>> -> memref<1x128xi32, #tpu.memory_space<vmem>>
          %dma_wait3A_137 = tpu.memref_squeeze %dma_wait3A_136 : memref<1x128xi32, #tpu.memory_space<vmem>> -> memref<128xi32, #tpu.memory_space<vmem>>
          %dma_wait3A_138 = arith.constant 0 : i32
          %dma_wait3A_139 = tpu.memref_slice %arg13[%dma_wait3A_138] : memref<123136xf32, #tpu.memory_space<vmem_shared>> -> memref<123136xf32, #tpu.memory_space<vmem_shared>>
          tpu.wait_indirect_dma semaphore(%run_scoped3A : memref<!tpu.dma_semaphore, #tpu.memory_space<semaphore_mem>>) src(%dma_wait3A_134 : memref<128xf32, #tpu.memory_space<vmem>>) dst(%dma_wait3A_139 : memref<123136xf32, #tpu.memory_space<vmem_shared>>)
          tpu.yield
        }) : () -> ()
      }
      %scan3A_124 = arith.constant 98 : i32
    } else {
    }
    %barrier3A_107 = arith.constant 0 : index
    tpu.barrier barrier_id(%barrier3A_107)
    %eq3A_108 = arith.constant 15 : i32
    %eq3A_109 = arith.cmpi eq, %arg1, %eq3A_108 : i32
    %convert_element_type3A_110 = arith.extui %eq3A_109 : i1 to i32
    %cond3A_111 = arith.constant 0 : i32
    %cond3A_112 = arith.cmpi ne, %convert_element_type3A_110, %cond3A_111 : i32
    scf.if %cond3A_112 {
      %scan3A_119 = arith.constant 0 : i32
      %scan3A_120 = arith.constant 0 : i32
      %scan3A_121 = arith.constant 98 : i32
      %scan3A_122 = arith.addi %scan3A_120, %scan3A_121 : i32
      %scan3A_123 = arith.constant 1 : i32
      scf.for %scan3A_125 = %scan3A_120 to %scan3A_122 step %scan3A_123  : i32 {
        "tpu.region"() ({
          %run_scoped3A = tpu.sem_alloc : memref<!tpu.dma_semaphore, #tpu.memory_space<semaphore_mem>>
          %dma_start3A = arith.constant 0 : i32
          %dma_start3A_126 = tpu.memref_slice %arg12[%scan3A_125, %dma_start3A] : memref<98x128xf32, #tpu.memory_space<vmem>> -> memref<1x128xf32, #tpu.memory_space<vmem>>
          %dma_start3A_127 = tpu.memref_squeeze %dma_start3A_126 : memref<1x128xf32, #tpu.memory_space<vmem>> -> memref<128xf32, #tpu.memory_space<vmem>>
          %dma_start3A_128 = arith.constant 0 : i32
          %dma_start3A_129 = tpu.memref_slice %arg11[%scan3A_125, %dma_start3A_128] : memref<98x128xi32, #tpu.memory_space<vmem>> -> memref<1x128xi32, #tpu.memory_space<vmem>>
          %dma_start3A_130 = tpu.memref_squeeze %dma_start3A_129 : memref<1x128xi32, #tpu.memory_space<vmem>> -> memref<128xi32, #tpu.memory_space<vmem>>
          %dma_start3A_131 = arith.constant 0 : i32
          %dma_start3A_132 = tpu.memref_slice %arg13[%dma_start3A_131] : memref<123136xf32, #tpu.memory_space<vmem_shared>> -> memref<123136xf32, #tpu.memory_space<vmem_shared>>
          tpu.enqueue_indirect_dma source(%dma_start3A_127 : memref<128xf32, #tpu.memory_space<vmem>>) target(%dma_start3A_132 : memref<123136xf32, #tpu.memory_space<vmem_shared>>) offsets(%dma_start3A_130 : memref<128xi32, #tpu.memory_space<vmem>>) semaphore(%run_scoped3A : memref<!tpu.dma_semaphore, #tpu.memory_space<semaphore_mem>>)
          %dma_wait3A = arith.constant 0 : i32
          %dma_wait3A_133 = tpu.memref_slice %arg12[%scan3A_125, %dma_wait3A] : memref<98x128xf32, #tpu.memory_space<vmem>> -> memref<1x128xf32, #tpu.memory_space<vmem>>
          %dma_wait3A_134 = tpu.memref_squeeze %dma_wait3A_133 : memref<1x128xf32, #tpu.memory_space<vmem>> -> memref<128xf32, #tpu.memory_space<vmem>>
          %dma_wait3A_135 = arith.constant 0 : i32
          %dma_wait3A_136 = tpu.memref_slice %arg11[%scan3A_125, %dma_wait3A_135] : memref<98x128xi32, #tpu.memory_space<vmem>> -> memref<1x128xi32, #tpu.memory_space<vmem>>
          %dma_wait3A_137 = tpu.memref_squeeze %dma_wait3A_136 : memref<1x128xi32, #tpu.memory_space<vmem>> -> memref<128xi32, #tpu.memory_space<vmem>>
          %dma_wait3A_138 = arith.constant 0 : i32
          %dma_wait3A_139 = tpu.memref_slice %arg13[%dma_wait3A_138] : memref<123136xf32, #tpu.memory_space<vmem_shared>> -> memref<123136xf32, #tpu.memory_space<vmem_shared>>
          tpu.wait_indirect_dma semaphore(%run_scoped3A : memref<!tpu.dma_semaphore, #tpu.memory_space<semaphore_mem>>) src(%dma_wait3A_134 : memref<128xf32, #tpu.memory_space<vmem>>) dst(%dma_wait3A_139 : memref<123136xf32, #tpu.memory_space<vmem_shared>>)
          tpu.yield
        }) : () -> ()
      }
      %scan3A_124 = arith.constant 98 : i32
    } else {
    }
    %barrier3A_113 = arith.constant 0 : index
    tpu.barrier barrier_id(%barrier3A_113)
    %eq3A_114 = arith.constant 0 : i32
    %eq3A_115 = arith.cmpi eq, %arg1, %eq3A_114 : i32
    %convert_element_type3A_116 = arith.extui %eq3A_115 : i1 to i32
    %cond3A_117 = arith.constant 0 : i32
    %cond3A_118 = arith.cmpi ne, %convert_element_type3A_116, %cond3A_117 : i32
    scf.if %cond3A_118 {
      "tpu.region"() ({
        %run_scoped3A = tpu.sem_alloc : memref<!tpu.dma_semaphore, #tpu.memory_space<semaphore_mem>>
        %dma_start3A = arith.constant 0 : i32
        %dma_start3A_119 = tpu.memref_slice %arg6[%arg0, %dma_start3A] : memref<2x122880xf32, #tpu.memory_space<hbm>> -> memref<1x122880xf32, #tpu.memory_space<hbm>>
        %dma_start3A_120 = tpu.memref_squeeze %dma_start3A_119 : memref<1x122880xf32, #tpu.memory_space<hbm>> -> memref<122880xf32, #tpu.memory_space<hbm>>
        %dma_start3A_121 = arith.constant 0 : i32
        %dma_start3A_122 = tpu.memref_slice %arg13[%dma_start3A_121] : memref<123136xf32, #tpu.memory_space<vmem_shared>> -> memref<122880xf32, #tpu.memory_space<vmem_shared>>
        tpu.enqueue_dma source(%dma_start3A_122 : memref<122880xf32, #tpu.memory_space<vmem_shared>>) target(%dma_start3A_120 : memref<122880xf32, #tpu.memory_space<hbm>>) target_semaphore(%run_scoped3A : memref<!tpu.dma_semaphore, #tpu.memory_space<semaphore_mem>>)
        %dma_wait3A = arith.constant 0 : i32
        %dma_wait3A_123 = tpu.memref_slice %arg6[%arg0, %dma_wait3A] : memref<2x122880xf32, #tpu.memory_space<hbm>> -> memref<1x122880xf32, #tpu.memory_space<hbm>>
        %dma_wait3A_124 = tpu.memref_squeeze %dma_wait3A_123 : memref<1x122880xf32, #tpu.memory_space<hbm>> -> memref<122880xf32, #tpu.memory_space<hbm>>
        %dma_wait3A_125 = arith.constant 0 : i32
        %dma_wait3A_126 = tpu.memref_slice %arg13[%dma_wait3A_125] : memref<123136xf32, #tpu.memory_space<vmem_shared>> -> memref<122880xf32, #tpu.memory_space<vmem_shared>>
        tpu.wait_dma2 semaphore(%run_scoped3A : memref<!tpu.dma_semaphore, #tpu.memory_space<semaphore_mem>>) src(%dma_wait3A_126 : memref<122880xf32, #tpu.memory_space<vmem_shared>>) dst(%dma_wait3A_124 : memref<122880xf32, #tpu.memory_space<hbm>>)
        tpu.yield
      }) : () -> ()
    } else {
    }
    return
  }
}

</mosaic_0001>

<sc_bundles>
// kernel: _sc_scatter.3.cloned.1.call-start
scs
__scs_entry_jumppad:
0x0: {  	(pc) =	sbr.rel $0x88, $3  }
0x1: {  	(tag) =	ssettag $0x0;
	lr =	simm.s32 $0x1  }
0x2: {  	[smem:$0x3F9D] =	sst lr;
	_ =	strace $0xD0000000  }
0x3: {  	_ = 	snop  }
0x4: {  	_ = 	snop  }
0x5: {  	_ = 	snop  }
0x6: {  	_ = 	snop  }
0x7: {  	_ = 	snop  }
__scs_overlays_trampoline_lowered:
0x8: {  	[smem:$0x3FAC] =	sst s0  }
0x9: {  	[smem:$0x3FAD] =	sst s1  }
0xa: {  	[smem:$0x3FAE] =	sst s2  }
0xb: {  	[smem:$0x3FAF] =	sst s3  }
0xc: {  	[smem:$0x3FB0] =	sst s4  }
0xd: {  	[smem:$0x3FB1] =	sst s5  }
0xe: {  	[smem:$0x3FB2] =	sst s6  }
0xf: {  	[smem:$0x3FB3] =	sst s7  }
0x10: {  	[smem:$0x3FB4] =	sst s8  }
0x11: {  	[smem:$0x3FB5] =	sst s9;
	s0 =	simm.s32 @!p0 $0x0  }
0x12: {  	s1 =	sld [smem:$0x3F9B];
	s0 =	simm.s32 @p0 $0x1  }
0x13: {  	[smem:$0x3FB6] =	sst s0;
	s0 =	simm.s32 @!p1 $0x0  }
0x14: {  	s2 =	sld [smem:$0x3F9A];
	s0 =	simm.s32 @p1 $0x1  }
0x15: {  	[smem:$0x3FB7] =	sst s0;
	s0 =	simm.s32 @!p2 $0x0  }
0x16: {  	s3 =	sld [smem:$0x3FDB];
	s0 =	simm.s32 @p2 $0x1  }
0x17: {  	s4 =	simm.s32 $0x1BF5;
	[smem:$0x3FB9] =	sst s0  }
0x18: {  	s0 =	sld [smem:$0x3F9C];
	_ =	swait.ge [sflag:s4], $0x0  }
0x19: {  	s7 =	sld [smem:$0x3F9D]  }
0x1a: {  	s8 =	sadd.s32 $0xFFFFE003, lr  }
0x1b: {  	s9 =	sadd.s32 $0xFFFFFEF7, lr;
	s5 =	simm.s32 $0xFFFFFFFF;
	p2 =	slt.u32 s8, $0xFFFFF086  }
0x1c: {  	p1 =	slt.u32 s9, $0xF7A;
	s5 =	simm.s32 @!p2 $0x0  }
0x1d: {  	s5 =	simm.s32 @p1 $0x1;
	p0 =	seq.s32 s7, s2  }
0x1e: {  	s7 =	smul.u32 @!p0 $0xF7A, s2;
	p2 =	seq.s32 @!p0 s5, $0x0  }
0x1f: {  	s9 =	smul.u32 $0xF7A, s1;
	s8 =	simm.s32 @!p0 $0x1BF5;
	p2 =	por !p2, p0  }
0x20: {  	[sflag:s8] =	ssyncset.s32 @!p0 $0xFFFFF086;
	s6 =	sadd.s32 @!p0 s3, s7;
	s7 =	simm.s32 @!p0 $0x108  }
0x21: {  	s3 =	sadd.s32 s3, s9;
	s6 =	sadd.s32 @!p0 $0x88, s6;
	s7 =	simm.s32 @p2 $0x1082  }
0x22: {  	[simem:s7], [sflag:s8] =	dma.local @!p0 [hbm:s6], $0xF7A  }
0x23: {  	s9 =	sor.u32 $0xD0000000, s2;
	s6 =	simm.s32 $0x108;
	_ =	swait.ge @!p0 [sflag:s8], $0x0  }
0x24: {  	s3 =	sadd.s32 $0x88, s3;
	s6 =	simm.s32 @!p1 $0x1082;
	[sflag:s4] =	ssyncset.s32 $0xFFFFF086  }
0x25: {  	[simem:s6], [sflag:s4] =	dma.local [hbm:s3], $0xF7A  }
0x26: {  	[smem:$0x3F9D] =	sst s1;
	(tag) =	ssettag s2;
	_ =	strace s9  }
0x27: {  	s1 =	sld [smem:$0x3FAD]  }
0x28: {  	s2 =	sld [smem:$0x3FAE]  }
0x29: {  	s4 =	sld [smem:$0x3FB0]  }
0x2a: {  	p0 =	seq.s32 s5, $0x0;
	s5 =	sld [smem:$0x3FB1]  }
0x2b: {  	s6 =	sld [smem:$0x3FB2]  }
0x2c: {  	s7 =	sld [smem:$0x3FB3]  }
0x2d: {  	s3 =	simm.s32 $0x108;
	s8 =	sld [smem:$0x3FB4]  }
0x2e: {  	s3 =	simm.s32 @!p0 $0x1082;
	s9 =	sld [smem:$0x3FB5]  }
0x2f: {  	lr =	sadd.s32 s0, s3;
	s0 =	sld [smem:$0x3FAC]  }
0x30: {  	s3 =	sld [smem:$0x3FAF]  }
0x31: {  	[smem:$0x3FB8] =	sst s10  }
0x32: {  	s10 =	sld [smem:$0x3FB6];
	_ =	sdelay $0x3  }
0x33: {  	p0 =	seq.s32 s10, $0x1;
	s10 =	sld [smem:$0x3FB8];
	_ =	sdelay $0x3  }
0x34: {  	[smem:$0x3FB8] =	sst s10  }
0x35: {  	s10 =	sld [smem:$0x3FB7];
	_ =	sdelay $0x3  }
0x36: {  	p1 =	seq.s32 s10, $0x1;
	s10 =	sld [smem:$0x3FB8];
	_ =	sdelay $0x3  }
0x37: {  	[smem:$0x3FB8] =	sst s10  }
0x38: {  	s10 =	sld [smem:$0x3FB9]  }
0x39: {  	_ = 	snop;
	(pc) =	sbr.ind lr, $3  }
0x3a: {  	_ = 	snop  }
0x3b: {  	_ = 	snop  }
0x3c: {  	p2 =	seq.s32 s10, $0x1;
	s10 =	sld [smem:$0x3FB8]  }
0x3d: {  	_ =	shalt  }
0x3e: {  	_ =	shalt  }
0x3f: {  	_ =	shalt  }
0x40: {  	_ =	shalt  }
0x41: {  	_ =	shalt  }
0x42: {  	_ =	shalt  }
0x43: {  	_ =	shalt  }
0x44: {  	_ =	shalt  }
0x45: {  	_ =	shalt  }
0x46: {  	_ =	shalt  }
0x47: {  	_ =	shalt  }
0x48: {  	_ =	shalt  }
0x49: {  	_ =	shalt  }
0x4a: {  	_ =	shalt  }
0x4b: {  	_ =	shalt  }
0x4c: {  	_ =	shalt  }
0x4d: {  	_ =	shalt  }
0x4e: {  	_ =	shalt  }
0x4f: {  	_ =	shalt  }
0x50: {  	_ =	shalt  }
0x51: {  	_ =	shalt  }
0x52: {  	_ =	shalt  }
0x53: {  	_ =	shalt  }
0x54: {  	_ =	shalt  }
0x55: {  	_ =	shalt  }
0x56: {  	_ =	shalt  }
0x57: {  	_ =	shalt  }
0x58: {  	_ =	shalt  }
0x59: {  	_ =	shalt  }
0x5a: {  	_ =	shalt  }
0x5b: {  	_ =	shalt  }
0x5c: {  	_ =	shalt  }
0x5d: {  	_ =	shalt  }
0x5e: {  	_ =	shalt  }
0x5f: {  	_ =	shalt  }
0x60: {  	_ =	shalt  }
0x61: {  	_ =	shalt  }
0x62: {  	_ =	shalt  }
0x63: {  	_ =	shalt  }
0x64: {  	_ =	shalt  }
0x65: {  	_ =	shalt  }
0x66: {  	_ =	shalt  }
0x67: {  	_ =	shalt  }
0x68: {  	_ =	shalt  }
0x69: {  	_ =	shalt  }
0x6a: {  	_ =	shalt  }
0x6b: {  	_ =	shalt  }
0x6c: {  	_ =	shalt  }
0x6d: {  	_ =	shalt  }
0x6e: {  	_ =	shalt  }
0x6f: {  	_ =	shalt  }
0x70: {  	_ =	shalt  }
0x71: {  	_ =	shalt  }
0x72: {  	_ =	shalt  }
0x73: {  	_ =	shalt  }
0x74: {  	_ =	shalt  }
0x75: {  	_ =	shalt  }
0x76: {  	_ =	shalt  }
0x77: {  	_ =	shalt  }
0x78: {  	_ =	shalt  }
0x79: {  	_ =	shalt  }
0x7a: {  	_ =	shalt  }
0x7b: {  	_ =	shalt  }
0x7c: {  	_ =	shalt  }
0x7d: {  	_ =	shalt  }
0x7e: {  	_ =	shalt  }
0x7f: {  	_ =	shalt  }
0x80: {  	_ =	shalt  }
0x81: {  	_ =	shalt  }
0x82: {  	_ =	shalt  }
0x83: {  	_ =	shalt  }
0x84: {  	_ =	shalt  }
0x85: {  	_ =	shalt  }
0x86: {  	_ =	shalt  }
0x87: {  	_ =	shalt  }
.Lfunc_end0:
.L_simem_size_0:
called_computation_lowered:
.L_overlay_start_0:
0x88: {  	s2 =	sld [smem:$0x3FD9]  }
0x89: {  	s3 =	sld [smem:$0x3FFE];
	_ =	sdelay $0x1  }
0x8a: {  	s1 =	srdreg.scid  }
0x8b: {  	s0 =	sand.u32 $0x1, s1  }
0x8c: {  	s18 =	sshll.u32 s0, $0xA;
	s2 =	sadd.s32 s3, s2  }
0x8d: {  	s2 =	sadd.s32 s2, s18  }
0x8e: {  	[smem:$0x3FC4] =	sst s2  }
0x8f: {  	_ = 	snop  }
0x90: {  	s2 =	sld [smem:$0x3FC9]  }
0x91: {  	s19 =	sld [smem:$0x3FC8]  }
0x92: {  	s4 =	sld [smem:$0x3FC7]  }
0x93: {  	s5 =	sld [smem:$0x3FC6]  }
0x94: {  	s6 =	sld [smem:$0x3FD0];
	(tm) =	ssettm $0x1  }
0x95: {  	s7 =	sld [smem:$0x3FFB];
	_ =	sdelay $0x3  }
0x96: {  	_ =	strace s7  }
0x97: {  	s7 =	sld [smem:$0x3FFC];
	_ =	sdelay $0x3  }
0x98: {  	_ =	strace s7  }
0x99: {  	s7 =	sld [smem:$0x3FFD];
	_ =	sdelay $0x3  }
0x9a: {  	_ =	strace s7  }
0x9b: {  	_ =	strace $0x8FFFFFFF  }
0x9c: {  	s20 =	sld [smem:$0x3FDB];
	_ =	sdelay $0x1  }
0x9d: {  	s8 =	simm.s32 $_scs_section_size  }
0x9e: {  	s9 =	simm.s32 $_size__tile_overlayer_lowered;
	s10 =	simm.s32 $_tile_overlayer_lowered  }
0x9f: {  	s23 =	simm.s32 $0x1BFF;
	s22 =	sshll.u32 s10, $0x1;
	s7 =	sadd.s32 s8, s20  }
0xa0: {  	s11 =	simm.s32 $0x0;
	s21 =	sshll.u32 s9, $0x1;
	s9 =	sadd.s32 s22, s7  }
0xa1: {  	[timem:s11], [sflag:s23] =	dma.local [hbm:s9], s21  }
0xa2: {  	_ =	swait.ge [sflag:s23], s21  }
0xa3: {  	s8 =	ssub.s32 $0x0, s21;
	[sflag:s23] =	ssyncset.done $0x0  }
0xa4: {  	[sflag:s23] =	ssyncadd.s32 s8;
	_ =	sdelay $0x1  }
0xa5: {  	s24 =	simm.s32 $0x1B8B  }
0xa6: {  	_ =	swait.ge [sflag:s24], $0x1  }
0xa7: {  	[sflag:s24] =	ssyncset.done $0x0  }
0xa8: {  	s25 =	simm.s32 $0x1B8E;
	[sflag:s24] =	ssyncadd.s32 $0xFFFFFFFF  }
0xa9: {  	s26 =	simm.s32 $execute0_lowered;
	[smem:$0x3FD2] =	sst s25  }
0xaa: {  	s8 =	sshll.u32 s26, $0x1;
	_ =	strace $0x80000046;
	[dreg:$0x1] =	wrdreg $0xFFFFFFFF  }
0xab: {  	s28 =	simm.s32 $_size_execute0_lowered;
	s7 =	sadd.s32 s7, s8;
	[dreg:$0x0] =	wrdreg $0x0  }
0xac: {  	s8 =	sshll.u32 s28, $0x1;
	[dreg:$0x2] =	wrdreg s7  }
0xad: {  	[dreg:$0x3] =	wrdreg s8  }
0xae: {  	[dreg:$0x4] =	wrdreg $0xC0  }
0xaf: {  	_ =	task [dreg:s11], $0x5FFFF  }
0xb0: {  	[dreg:$0x1] =	wrdreg $0xFFFFFFFF  }
0xb1: {  	[dreg:$0x0] =	wrdreg $0x60  }
0xb2: {  	[dreg:$0x2] =	wrdreg s2  }
0xb3: {  	[dreg:$0x3] =	wrdreg s19  }
0xb4: {  	[dreg:$0x4] =	wrdreg s4  }
0xb5: {  	[dreg:$0x5] =	wrdreg s5  }
0xb6: {  	[dreg:$0x6] =	wrdreg s6  }
0xb7: {  	[dreg:$0x7] =	wrdreg $0x12C000  }
0xb8: {  	[dreg:$0x8] =	wrdreg $0x9  }
0xb9: {  	_ =	task.clear_ibuf [dreg:s11], $0x9FFFF;
	_ =	strace $0x90000046  }
0xba: {  	s29 =	simm.s32 $0x9;
	_ =	strace $0x80000048  }
0xbb: {  	_ =	swait.ge [sflag:s29], $0x1  }
0xbc: {  	[sflag:s29] =	ssyncadd.s32 $0xFFFFFFFF  }
0xbd: {  	_ =	strace $0x90000048  }
0xbe: {  	_ =	sfence  }
0xbf: {  	s30 =	sld [smem:$0x0];
	_ =	sdelay $0x2  }
0xc0: {  	s31 =	sshll.u32 s1, $0xD;
	s1 =	sshrl.u32 s1, $0x2  }
0xc1: {  	s3 =	sand.u32 $0x4000, s31;
	s1 =	sadd.s32 s1, s30  }
0xc2: {  	s0 =	sor.u32 s3, s0;
	s1 =	sshll.u32 s1, $0x11  }
0xc3: {  	s0 =	sor.u32 s1, s0  }
0xc4: {  	s0 =	sadd.s32 $0x8F2B, s0  }
0xc5: {  	[sflag:s0] =	ssyncadd.remote.s32 $0x1  }
0xc6: {  	_ =	sfence.sel $0xFFFF  }
0xc7: {  	[dreg:$0x0] =	wrdreg $0xFFFFFFFF;
	(pc) =	sbr.abs _section_cstart, $3  }
0xc8: {  	[dreg:$0x1] =	wrdreg $0xFFFFFFFF  }
0xc9: {  	_ =	task.clear_ibuf [dreg:s11], $0x2FFFF;
	_ =	strace $0x9FFFFFFF  }
0xca: {  	(tm) =	ssettm $0x7FFFFFFF  }
0xcb: {  	_ =	shalt  }
tec
execute0_lowered:
.L_overlay_start_1:
0x0: {  	(tag) =	ssettag $0x1  }
0x1: {  	s4 =	rddreg [dreg:$0x0]  }
0x2: {  	s5 =	rddreg [dreg:$0x1]  }
0x3: {  	s6 =	rddreg [dreg:$0x2]  }
0x4: {  	s7 =	rddreg [dreg:$0x3]  }
0x5: {  	s8 =	rddreg [dreg:$0x4]  }
0x6: {  	s1 =	rddreg [dreg:$0x5]  }
0x7: {  	s2 =	srdreg.scid;
	s0 =	rddreg [dreg:$0x6]  }
0x8: {  	s16 =	stileid.u32;
	s13 =	simm.s32 $0x9300;
	s14 =	simm.s32 $0x80  }
0x9: {  	s3 =	sand.u32 $0x1, s2;
	s2 =	simm.s32 $0x0;
	s11 =	smul.u32 $0x7840, s16  }
0xa: {  	p0 =	sne.s32 s16, $0x0;
	p1 =	sne.s32 s16, $0x1;
	p6 =	sne.s32 s16, $0x6  }
0xb: {  	p2 =	sne.s32 s16, $0x2;
	p3 =	sne.s32 s16, $0x3;
	s17 =	simm.s32 @!p6 $0x0  }
0xc: {  	[smem:$0x7FF] =	sst s2;
	s17 =	simm.s32 @p6 $0x1;
	p6 =	sne.s32 s16, $0x7  }
0xd: {  	_ =	strace $0x80000047;
	[smem:$0x7F4] =	sst s17;
	s17 =	simm.s32 @!p6 $0x0  }
0xe: {  	p4 =	sne.s32 s16, $0x4;
	s17 =	simm.s32 @p6 $0x1;
	p6 =	sne.s32 s16, $0x8  }
0xf: {  	p5 =	sne.s32 s16, $0x5;
	[smem:$0x7F5] =	sst s17;
	s17 =	simm.s32 @!p6 $0x0  }
0x10: {  	s9 =	sshll.u32 s3, $0x4;
	s17 =	simm.s32 @p6 $0x1;
	p6 =	sne.s32 s16, $0x9  }
0x11: {  	s3 =	ssub.s32 $0x2, s3;
	[smem:$0x7F6] =	sst s17;
	s17 =	simm.s32 @!p6 $0x0  }
0x12: {  	s15 =	sshrl.u32 @!p0 s1, $0x3;
	s17 =	simm.s32 @p6 $0x1;
	p6 =	sne.s32 s16, $0xA  }
0x13: {  	s10 =	sor.u32 s16, s9;
	[smem:$0x7F7] =	sst s17;
	s17 =	simm.s32 @!p6 $0x0  }
0x14: {  	v0 =	vimm.f32 $1.280000000e+03;
	s12 =	sshrl.u32 s3, $0x1;
	s17 =	simm.s32 @p6 $0x1;
	p6 =	sne.s32 s16, $0xB  }
0x15: {  	s11 =	sshrl.u32 s11, $0x2;
	(erf) = vrcp.f32 v0;
	v0 =	vimm.f32 $3.840000000e+02;
	[smem:$0x7F8] =	sst s17;
	s17 =	simm.s32 @!p6 $0x0  }
0x16: {  	s8 =	sadd.s32 s8, s9;
	(erf) = vrcp.f32 v0;
	s17 =	simm.s32 @p6 $0x1;
	p6 =	sne.s32 s16, $0xC  }
0x17: {  	s10 =	smul.u32 $0x620, s10;
	[smem:$0x7F9] =	sst s17;
	s17 =	simm.s32 @!p6 $0x0  }
0x18: {  	s12 =	ssub.s32 s3, s12;
	s17 =	simm.s32 @p6 $0x1;
	p6 =	sne.s32 s16, $0xD  }
0x19: {  	s3 =	sadd.s32 s11, s1;
	[smem:$0x7FA] =	sst s17;
	s17 =	simm.s32 @!p6 $0x0  }
0x1a: {  	s11 =	simm.s32 $0x3100;
	s17 =	simm.s32 @p6 $0x1;
	p6 =	sne.s32 s16, $0xE  }
0x1b: {  	s9 =	smax.u32 s12, $0x1;
	[smem:$0x7FB] =	sst s17;
	s17 =	simm.s32 @!p6 $0x0  }
0x1c: {  	s12 =	simm.s32 $0x6200;
	s17 =	simm.s32 @p6 $0x1;
	p6 =	sne.s32 s16, $0xF  }
0x1d: {  	s4 =	sadd.s32 s4, s10;
	s5 =	sadd.s32 s5, s10;
	s16 =	simm.s32 @!p6 $0x0  }
0x1e: {  	s6 =	sadd.s32 s6, s10;
	v0 =	vpop (erf);
	[smem:$0x7FC] =	sst s17;
	s16 =	simm.s32 @p6 $0x1  }
0x1f: {  	v2 =	vimm.f32 $0.0e+00;
	s7 =	sadd.s32 s7, s10;
	s10 =	simm.s32 $0x1;
	v1 =	vpop (erf);
	[smem:$0x7FD] =	sst s16  }
.LBB2_1:
0x20: {  	s16 =	simm.s32 $0x40;
	s17 =	simm.s32 $0x0  }
.LBB2_2:
0x21: {  	p6 =	sne.s32 s16, $0x7800;
	[tilespmem:s17+$0x0] =	vst v2;
	s17 =	smov.u32 s16;
	s16 =	sadd.s32 $0x40, s16  }
.Ltmp0:
0x22: {  	(pc) =	sbr.rel @p6 .LBB2_2-.Ltmp0, $2  }
0x23: {  	_ =	sdelay $0x2  }
0x24: {  	s17 =	sshra.s32 s17, $0x2  }
0x25: {  	[tilespmem:s17+$0x0] =	vst v2;
	s16 =	simm.s32 $0x0  }
0x26: {  	[spmem:s3] =	stream.linear.scatter [tilespmem:s16], [sflag:$0x1], $0x1E10, $0x38;
	[tilespmem:$0x14A10] =	vst v63  }
0x27: {  	_ =	swait.ge [sflag:s10], $0x1E10  }
0x28: {  	[sflag:s10] =	ssyncset.done $0x0  }
0x29: {  	[sflag:s10] =	ssyncadd.s32 $0xFFFFE1F0  }
0x2a: {  	[bflag:$0x0] =	sbarrier.arrive $0xFFFF  }
0x2b: {  	[tilespmem:s16], [sflag:$0x1] =	stream.linear.gather [hbm4b:s4+s16], $0x3100, $0x38;
	[tilespmem:$0x14A10] =	vst v63  }
0x2c: {  	_ =	swait.ge [sflag:s10], $0x3100  }
0x2d: {  	[sflag:s10] =	ssyncset.done $0x0  }
0x2e: {  	[sflag:s10] =	ssyncadd.s32 $0xFFFFCF00  }
0x2f: {  	[tilespmem:s11], [sflag:$0x1] =	stream.linear.gather [hbm4b:s5+s16], $0x3100, $0x38;
	[tilespmem:$0x14A10] =	vst v63  }
0x30: {  	_ =	swait.ge [sflag:s10], $0x3100  }
0x31: {  	[sflag:s10] =	ssyncset.done $0x0  }
0x32: {  	[sflag:s10] =	ssyncadd.s32 $0xFFFFCF00  }
0x33: {  	[tilespmem:s12], [sflag:$0x1] =	stream.linear.gather [hbm4b:s6+s16], $0x3100, $0x38;
	[tilespmem:$0x14A10] =	vst v63  }
0x34: {  	_ =	swait.ge [sflag:s10], $0x3100  }
0x35: {  	[sflag:s10] =	ssyncset.done $0x0  }
0x36: {  	[sflag:s10] =	ssyncadd.s32 $0xFFFFCF00  }
0x37: {  	[tilespmem:s13], [sflag:$0x1] =	stream.linear.gather [hbm4b:s7+s16], $0x3100, $0x38;
	[tilespmem:$0x14A10] =	vst v63  }
0x38: {  	_ =	swait.ge [sflag:s10], $0x3100  }
0x39: {  	[sflag:s10] =	ssyncset.done $0x0  }
0x3a: {  	s16 =	simm.s32 $0x0;
	[sflag:s10] =	ssyncadd.s32 $0xFFFFCF00  }
0x3b: {  	v3 =	vld [tilespmem:s16+$0x6270]  }
0x3c: {  	v4 =	vld [tilespmem:s16+$0x6200]  }
0x3d: {  	v5 =	vld [tilespmem:s16+$0x6210]  }
0x3e: {  	v6 =	vld [tilespmem:s16+$0x6220]  }
0x3f: {  	v7 =	vld [tilespmem:s16+$0x6230]  }
0x40: {  	v8 =	vld [tilespmem:s16+$0x6240]  }
0x41: {  	v9 =	vld [tilespmem:s16+$0x6250]  }
0x42: {  	v10 =	vld [tilespmem:s16+$0x6260]  }
0x43: {  	v12 =	vld [tilespmem:s16+$0x3110]  }
0x44: {  	v13 =	vld [tilespmem:s16+$0x3120]  }
0x45: {  	v48 =	vld [tilespmem:s16+$0x3130]  }
0x46: {  	v15 =	vld [tilespmem:s16+$0x0]  }
0x47: {  	v17 =	vld [tilespmem:s16+$0x30]  }
0x48: {  	v20 =	vld [tilespmem:s16+$0x40]  }
0x49: {  	v21 =	vld [tilespmem:s16+$0x50]  }
0x4a: {  	v23 =	vld [tilespmem:s16+$0x70];
	v3 =	vsub.f32 $0.0e+00, v3;
	v4 =	vsub.f32 $0.0e+00, v4  }
0x4b: {  	v35 =	vld [tilespmem:s16+$0x9300];
	v5 =	vsub.f32 $0.0e+00, v5;
	v6 =	vsub.f32 $0.0e+00, v6;
	v51 =	vmul.f32 v12, v1  }
0x4c: {  	v36 =	vld [tilespmem:s16+$0x9310];
	v7 =	vsub.f32 $0.0e+00, v7;
	v52 =	vmul.f32 v13, v1;
	v53 =	vmul.f32 v48, v1  }
0x4d: {  	v37 =	vld [tilespmem:s16+$0x9320];
	v47 =	vsub.f32 $0.0e+00, v8;
	v15 =	vmul.f32 v15, v0;
	v24 =	vmul.f32 v17, v0  }
0x4e: {  	v39 =	vld [tilespmem:s16+$0x9340];
	v8 =	vsub.f32 $0.0e+00, v9;
	v25 =	vmul.f32 v20, v0;
	v26 =	vmul.f32 v21, v0  }
0x4f: {  	v40 =	vld [tilespmem:s16+$0x9350];
	v50 =	vsub.f32 $0.0e+00, v10;
	v23 =	vmul.f32 v23, v0;
	v3 =	vmul.f32 $1.442695020e+00, v3  }
0x50: {  	v41 =	vld [tilespmem:s16+$0x9360];
	v35 =	vmul.u32 $0x7800, v35;
	v4 =	vmul.f32 $1.442695020e+00, v4;
	v5 =	vmul.f32 $1.442695020e+00, v5  }
0x51: {  	v36 =	vmul.u32 $0x7800, v36;
	v7 =	vmul.f32 $1.442695020e+00, v7;
	v49 =	vmul.f32 $1.442695020e+00, v47  }
0x52: {  	v37 =	vmul.u32 $0x7800, v37;
	v8 =	vmul.f32 $1.442695020e+00, v8;
	v19 =	vmul.f32 $9.600000000e+01, v51  }
0x53: {  	v56 =	vmul.u32 $0x7800, v39;
	v27 =	vmul.f32 $3.200000000e+02, v15;
	v30 =	vmul.f32 $3.200000000e+02, v24  }
0x54: {  	v10 =	vld [tilespmem:s16+$0x3150];
	v59 =	vmul.u32 $0x7800, v40;
	v31 =	vmul.f32 $3.200000000e+02, v25;
	v32 =	vmul.f32 $3.200000000e+02, v26  }
0x55: {  	v12 =	vld [tilespmem:s16+$0x10];
	v60 =	vmul.u32 $0x7800, v41;
	v34 =	vmul.f32 $3.200000000e+02, v23;
	(erf) = vpow2.f32 v3  }
0x56: {  	v13 =	vld [tilespmem:s16+$0x20];
	vm0 =	vge.f32 v51, $0.0e+00;
	v3 =	vmul.f32 $1.442695020e+00, v6;
	v6 =	vmul.f32 $1.442695020e+00, v50  }
0x57: {  	vm10 =	vge.f32 v15, $0.0e+00;
	v19 =	vtrunc.f32 v19;
	v55 =	vtrunc.f32 v30  }
0x58: {  	vm5 =	vge.f32 v52, $0.0e+00;
	v57 =	vtrunc.f32 v31;
	v58 =	vtrunc.f32 v32  }
0x59: {  	v11 =	vld [tilespmem:s16+$0x3100];
	vm6 =	vge.f32 v24, $0.0e+00;
	v34 =	vtrunc.f32 v34;
	(erf) = vpow2.f32 v4  }
0x5a: {  	vm7 =	vge.f32 v53, $0.0e+00;
	v54 =	vmul.f32 v10, v1;
	v12 =	vmul.f32 v12, v0  }
0x5b: {  	vm8 =	vge.f32 v25, $0.0e+00;
	v13 =	vmul.f32 v13, v0;
	v19 =	vcvt.f32.s32 v19  }
0x5c: {  	vm2 =	vge.f32 v26, $0.0e+00;
	v30 =	vcvt.f32.s32 v57;
	v31 =	vcvt.f32.s32 v58  }
0x5d: {  	vm14 =	vge.f32 v23, $0.0e+00;
	v34 =	vcvt.f32.s32 v34;
	(erf) = vpow2.f32 v5  }
0x5e: {  	(erf) = vpow2.f32 v3;
	v3 =	vmul.f32 v11, v1;
	vm3 =	vge.f32 v12, $0.0e+00  }
0x5f: {  	vm4 =	vge.f32 v13, $0.0e+00;
	v20 =	vmul.f32 $9.600000000e+01, v54;
	v28 =	vmul.f32 $3.200000000e+02, v12  }
0x60: {  	v14 =	vld [tilespmem:s16+$0x3160];
	v29 =	vmul.f32 $3.200000000e+02, v13;
	vm11 =	vge.f32 v54, $0.0e+00;
	v19 =	vmul.u32 $0x140, v19  }
0x61: {  	v9 =	vld [tilespmem:s16+$0x3140];
	(erf) = vpow2.f32 v7;
	vm3 =	vmand vm3, vm0;
	vm4 =	vmand vm4, vm5  }
0x62: {  	v38 =	vld [tilespmem:s16+$0x9330];
	vm5 =	vmand vm6, vm7;
	vm0 =	vmand vm2, vm11;
	vm6 =	vlt.f32 v15, $1.000000000e+00  }
0x63: {  	vm7 =	vlt.f32 v12, $1.000000000e+00;
	v12 =	vimm.s32 $0x0;
	vm11 =	vlt.f32 v13, $1.000000000e+00  }
0x64: {  	v15 =	vadd.s32 v30, v56;
	(erf) = vpow2.f32 v49;
	v16 =	vmul.f32 $9.600000000e+01, v3  }
0x65: {  	vm1 =	vge.f32 v3, $0.0e+00;
	v20 =	vtrunc.f32 v20;
	(erf) = vpow2.f32 v8  }
0x66: {  	vm7 =	vmand vm3, vm7;
	v8 =	vmul.f32 v9, v1;
	v9 =	vmul.f32 v14, v1  }
0x67: {  	v11 =	vld [tilespmem:s16+$0x3170];
	v43 =	vcvt.f32.s32 v20;
	v20 =	vtrunc.f32 v27;
	v27 =	vmul.u32 $0x7800, v38  }
0x68: {  	vm1 =	vmand vm10, vm1;
	(erf) = vpow2.f32 v6;
	v16 =	vtrunc.f32 v16  }
0x69: {  	v61 =	vcvt.f32.s32 v20;
	v21 =	vmul.f32 $9.600000000e+01, v9;
	vm9 =	vge.f32 v8, $0.0e+00  }
0x6a: {  	vm13 =	vge.f32 v9, $0.0e+00;
	v16 =	vcvt.f32.s32 v16;
	v10 =	vpop (erf);
	vm10 =	vmand vm8, vm9  }
0x6b: {  	vm8 =	vmand vm1, vm6;
	vm6 =	vmand vm4, vm11;
	v14 =	vadd.f32 $1.000000000e+00, v10;
	v10 =	vpop (erf)  }
0x6c: {  	v21 =	vtrunc.f32 v21;
	v18 =	vadd.f32 $1.000000000e+00, v10;
	v10 =	vmul.f32 v11, v1;
	v11 =	vpop (erf)  }
0x6d: {  	v44 =	vcvt.f32.s32 v21;
	v21 =	vtrunc.f32 v28;
	v11 =	vadd.f32 $1.000000000e+00, v11;
	v22 =	vpop (erf)  }
0x6e: {  	v28 =	vcvt.f32.s32 v55;
	(erf) = vrcp.f32 v14;
	v14 =	vadd.f32 $1.000000000e+00, v22  }
0x6f: {  	vm11 =	vlt.f32 v54, $1.000000000e+00;
	v62 =	vcvt.f32.s32 v21;
	v22 =	vld [tilespmem:s16+$0x60];
	(erf) = vrcp.f32 v18  }
0x70: {  	vm15 =	vge.f32 v10, $0.0e+00;
	v13 =	vadd.s32 v28, v27;
	(erf) = vrcp.f32 v11;
	v18 =	vpop (erf)  }
0x71: {  	vm2 =	vmand vm14, vm15;
	vm14 =	vlt.f32 v26, $1.000000000e+00;
	v18 =	vadd.f32 $1.000000000e+00, v18;
	v11 =	vpop (erf)  }
0x72: {  	v26 =	vadd.s32 v61, v35;
	(erf) = vrcp.f32 v14;
	v11 =	vadd.f32 $1.000000000e+00, v11;
	v14 =	vpop (erf)  }
0x73: {  	v14 =	vadd.f32 $1.000000000e+00, v14;
	(erf) = vrcp.f32 v18;
	v18 =	vmul.f32 $9.600000000e+01, v8  }
0x74: {  	v12 =	vsel vm2, $0xFFFFFFFF, v12;
	v17 =	vpop (erf);
	(erf) = vrcp.f32 v11;
	v11 =	vmul.f32 v22, v0  }
0x75: {  	v17 =	vadd.f32 $1.000000000e+00, v17;
	v22 =	vmul.f32 $9.600000000e+01, v10;
	(erf) = vrcp.f32 v14  }
0x76: {  	vm2 =	vlt.f32 v23, $1.000000000e+00;
	v14 =	vmul.f32 $9.600000000e+01, v52;
	v18 =	vtrunc.f32 v18  }
0x77: {  	vm3 =	vmand vm0, vm14;
	(erf) = vrcp.f32 v17;
	v17 =	vmul.f32 $9.600000000e+01, v53  }
0x78: {  	vm14 =	vlt.f32 v52, $1.000000000e+00;
	v33 =	vmul.f32 $3.200000000e+02, v11;
	v22 =	vtrunc.f32 v22  }
0x79: {  	vm12 =	vge.f32 v11, $0.0e+00;
	v42 =	vcvt.f32.s32 v18;
	v14 =	vtrunc.f32 v14  }
0x7a: {  	vm15 =	vlt.f32 v11, $1.000000000e+00;
	v45 =	vcvt.f32.s32 v22;
	v22 =	vtrunc.f32 v29  }
0x7b: {  	vm9 =	vmand vm12, vm13;
	vm12 =	vlt.f32 v24, $1.000000000e+00;
	vm13 =	vlt.f32 v25, $1.000000000e+00  }
0x7c: {  	v25 =	vadd.s32 v62, v36;
	v17 =	vtrunc.f32 v17;
	v14 =	vcvt.f32.s32 v14  }
0x7d: {  	[tilespmem:$0x1FFF0] =	vst v12;
	v18 =	vld [tilespmem:s16+$0x9370];
	v12 =	vpop (erf);
	v33 =	vtrunc.f32 v33;
	v46 =	vcvt.f32.s32 v22;
	v21 =	vmul.u32 $0x140, v42  }
0x7e: {  	[tilespmem:s16+$0xF870] =	vst v12;
	v11 =	vpop (erf);
	vm5 =	vmand vm5, vm12;
	vm4 =	vmand vm10, vm13;
	vm0 =	vmand vm9, vm15  }
0x7f: {  	vm15 =	vlt.f32 v3, $1.000000000e+00;
	vm13 =	vlt.f32 v51, $1.000000000e+00;
	v3 =	vld [tilespmem:$0x1FFF0];
	vm12 =	vlt.f32 v53, $1.000000000e+00;
	[tilespmem:s16+$0xF800] =	vst v11;
	v12 =	vpop (erf)  }
0x80: {  	vm10 =	vlt.f32 v8, $1.000000000e+00;
	vm9 =	vlt.f32 v9, $1.000000000e+00;
	v17 =	vcvt.f32.s32 v17;
	[tilespmem:s16+$0xF810] =	vst v12;
	v27 =	vpop (erf)  }
0x81: {  	v33 =	vcvt.f32.s32 v33;
	v11 =	vadd.s32 v31, v59;
	v22 =	vmul.u32 $0x140, v14;
	[tilespmem:s16+$0xF820] =	vst v27;
	v27 =	vpop (erf)  }
0x82: {  	v14 =	vmul.u32 $0x140, v45;
	v24 =	vadd.s32 v46, v37;
	v63 =	vmul.u32 $0x7800, v18;
	[tilespmem:s16+$0xF830] =	vst v27;
	v27 =	vpop (erf)  }
0x83: {  	v18 =	vmul.u32 $0x140, v16;
	v20 =	vmul.u32 $0x140, v17;
	v16 =	vmul.u32 $0x140, v43;
	[tilespmem:s16+$0xF840] =	vst v27;
	v27 =	vpop (erf)  }
0x84: {  	v17 =	vmul.u32 $0x140, v44;
	v23 =	vadd.s32 v33, v60;
	vm1 =	vnez.u8 v3;
	[tilespmem:s16+$0xF850] =	vst v27;
	v3 =	vpop (erf)  }
0x85: {  	s17 =	simm.s32 $0x80;
	s18 =	simm.s32 $0x400;
	v12 =	vadd.s32 v34, v63;
	vm1 =	vmand vm1, vm2;
	vm2 =	vlt.f32 v10, $1.000000000e+00;
	[tilespmem:s16+$0xF860] =	vst v3  }
.LBB2_4:
0x86: {  	v3 =	vld [tilespmem:s17+$0x6270];
	v9 =	vadd.s32 v21, v15;
	vm8 =	vmand vm15, vm8;
	vm7 =	vmand vm13, vm7  }
0x87: {  	v7 =	vld [tilespmem:s17+$0x6200];
	vm6 =	vmand vm14, vm6;
	vm5 =	vmand vm12, vm5;
	vm4 =	vmand vm10, vm4  }
0x88: {  	vm3 =	vmand vm11, vm3;
	vm9 =	vmand vm9, vm0;
	v10 =	vadd.s32 v16, v11;
	v11 =	vld [tilespmem:s17+$0x6210]  }
0x89: {  	vm0 =	vmand vm2, vm1;
	v4 =	vadd.s32 v18, v26;
	v12 =	vadd.s32 v14, v12;
	v14 =	vld [tilespmem:s17+$0x6220]  }
0x8a: {  	v15 =	vld [tilespmem:s17+$0x6230];
	v5 =	vadd.s32 v19, v25;
	v6 =	vadd.s32 v22, v24;
	v8 =	vadd.s32 v20, v13  }
0x8b: {  	v13 =	vadd.s32 v17, v23;
	v16 =	vld [tilespmem:s17+$0x6240];
	v4 =	vnsel vm8, $0x1E000, v4;
	v3 =	vsub.f32 $0.0e+00, v3  }
0x8c: {  	v17 =	vld [tilespmem:s17+$0x6250];
	v38 =	vnsel vm4, $0x1E000, v9;
	v34 =	vnsel vm7, $0x1E000, v5;
	[tilespmem:s16+$0xC400] =	vst v4;
	v7 =	vsub.f32 $0.0e+00, v7  }
0x8d: {  	v35 =	vnsel vm6, $0x1E000, v6;
	v36 =	vsub.f32 $0.0e+00, v11;
	v11 =	vld [tilespmem:s17+$0x6260];
	[tilespmem:s16+$0xC410] =	vst v34;
	v3 =	vmul.f32 $1.442695020e+00, v3  }
0x8e: {  	v37 =	vnsel vm5, $0x1E000, v8;
	v14 =	vsub.f32 $0.0e+00, v14;
	v8 =	vld [tilespmem:s17+$0x3100];
	v7 =	vmul.f32 $1.442695020e+00, v7;
	[tilespmem:s16+$0xC420] =	vst v35  }
0x8f: {  	v15 =	vsub.f32 $0.0e+00, v15;
	v9 =	vld [tilespmem:s17+$0x3110];
	v6 =	vmul.f32 $1.442695020e+00, v36;
	[tilespmem:s16+$0xC430] =	vst v37;
	(erf) = vpow2.f32 v3  }
0x90: {  	v39 =	vsub.f32 $0.0e+00, v16;
	v18 =	vld [tilespmem:s17+$0x3120];
	v3 =	vmul.f32 $1.442695020e+00, v14;
	[tilespmem:s16+$0xC440] =	vst v38;
	(erf) = vpow2.f32 v7  }
0x91: {  	v41 =	vmul.f32 $1.442695020e+00, v15;
	v14 =	vsub.f32 $0.0e+00, v17;
	v40 =	vld [tilespmem:s17+$0x3130];
	(erf) = vpow2.f32 v6  }
0x92: {  	v4 =	vmul.f32 $1.442695020e+00, v39;
	v15 =	vld [tilespmem:s17+$0x3140];
	v42 =	vsub.f32 $0.0e+00, v11;
	(erf) = vpow2.f32 v3  }
0x93: {  	v11 =	vld [tilespmem:s17+$0x3150];
	v14 =	vmul.f32 $1.442695020e+00, v14;
	v3 =	vnsel vm3, $0x1E000, v10;
	(erf) = vpow2.f32 v41  }
0x94: {  	v44 =	vnsel vm9, $0x1E000, v13;
	v10 =	vld [tilespmem:s17+$0x3160];
	v43 =	vmul.f32 $1.442695020e+00, v42;
	[tilespmem:s16+$0xC450] =	vst v3;
	v3 =	vmul.f32 v8, v1  }
0x95: {  	v45 =	vnsel vm0, $0x1E000, v12;
	(erf) = vpow2.f32 v4;
	v13 =	vld [tilespmem:s17+$0x3170];
	[tilespmem:s16+$0xC460] =	vst v44;
	v4 =	vmul.f32 v9, v1  }
0x96: {  	v5 =	vmul.f32 v18, v1;
	(erf) = vpow2.f32 v14;
	v12 =	vld [tilespmem:s17+$0x0];
	[tilespmem:s16+$0xC470] =	vst v45;
	s16 =	smov.u32 s17  }
0x97: {  	v63 =	vimm.s32 $0x0;
	v6 =	vmul.f32 v40, v1;
	v8 =	vmul.f32 v15, v1;
	v14 =	vld [tilespmem:s16+$0x10]  }
0x98: {  	vm7 =	vge.f32 v3, $0.0e+00;
	v17 =	vmul.f32 $9.600000000e+01, v3;
	(erf) = vpow2.f32 v43;
	v16 =	vld [tilespmem:s16+$0x20]  }
0x99: {  	vm1 =	vge.f32 v4, $0.0e+00;
	v7 =	vmul.f32 v11, v1;
	v15 =	vld [tilespmem:s16+$0x30];
	v20 =	vmul.f32 $9.600000000e+01, v4  }
0x9a: {  	v24 =	vld [tilespmem:s16+$0x50];
	vm5 =	vge.f32 v5, $0.0e+00;
	v9 =	vmul.f32 v10, v1;
	v46 =	vmul.f32 $9.600000000e+01, v8  }
0x9b: {  	v27 =	vld [tilespmem:s16+$0x9300];
	vm0 =	vge.f32 v6, $0.0e+00;
	v17 =	vtrunc.f32 v17;
	v30 =	vmul.f32 $9.600000000e+01, v7  }
0x9c: {  	v28 =	vld [tilespmem:s16+$0x9310];
	vm9 =	vge.f32 v8, $0.0e+00;
	v11 =	vpop (erf);
	v20 =	vtrunc.f32 v20;
	v17 =	vcvt.f32.s32 v17  }
0x9d: {  	v31 =	vld [tilespmem:s16+$0x9360];
	v18 =	vadd.f32 $1.000000000e+00, v11;
	v10 =	vpop (erf);
	v33 =	vmul.f32 $9.600000000e+01, v9;
	v20 =	vcvt.f32.s32 v20  }
0x9e: {  	v34 =	vld [tilespmem:s16+$0x9370];
	v23 =	vadd.f32 $1.000000000e+00, v10;
	v10 =	vmul.f32 v13, v1;
	v13 =	vpop (erf);
	v11 =	vmul.f32 v12, v0  }
0x9f: {  	v21 =	vld [tilespmem:s16+$0x40];
	v30 =	vtrunc.f32 v30;
	v25 =	vadd.f32 $1.000000000e+00, v13;
	v13 =	vpop (erf);
	(erf) = vrcp.f32 v18  }
0xa0: {  	vm11 =	vge.f32 v7, $0.0e+00;
	v12 =	vmul.f32 v14, v0;
	v15 =	vmul.f32 v15, v0  }
0xa1: {  	vm13 =	vge.f32 v9, $0.0e+00;
	v24 =	vmul.f32 v24, v0;
	v33 =	vtrunc.f32 v33  }
0xa2: {  	v27 =	vmul.u32 $0x7800, v27;
	v28 =	vmul.u32 $0x7800, v28;
	v30 =	vcvt.f32.s32 v30  }
0xa3: {  	v31 =	vmul.u32 $0x7800, v31;
	v34 =	vmul.u32 $0x7800, v34;
	(erf) = vrcp.f32 v23  }
0xa4: {  	v26 =	vadd.f32 $1.000000000e+00, v13;
	v13 =	vmul.f32 v16, v0;
	v23 =	vmul.f32 v21, v0  }
0xa5: {  	v19 =	vpop (erf);
	vm2 =	vge.f32 v11, $0.0e+00;
	v35 =	vmul.f32 $9.600000000e+01, v10;
	v36 =	vmul.f32 $3.200000000e+02, v11  }
0xa6: {  	vm15 =	vge.f32 v10, $0.0e+00;
	v33 =	vcvt.f32.s32 v33;
	v29 =	vadd.f32 $1.000000000e+00, v19  }
0xa7: {  	(erf) = vrcp.f32 v25;
	vm3 =	vge.f32 v12, $0.0e+00;
	v48 =	vmul.f32 $3.200000000e+02, v12  }
0xa8: {  	v22 =	vpop (erf);
	vm6 =	vge.f32 v15, $0.0e+00;
	v38 =	vmul.f32 $3.200000000e+02, v15;
	v40 =	vmul.f32 $3.200000000e+02, v24  }
0xa9: {  	vm10 =	vge.f32 v24, $0.0e+00;
	vm7 =	vmand vm2, vm7;
	v22 =	vadd.f32 $1.000000000e+00, v22  }
0xaa: {  	(erf) = vrcp.f32 v26;
	vm4 =	vge.f32 v13, $0.0e+00;
	v49 =	vmul.f32 $3.200000000e+02, v13  }
0xab: {  	v18 =	vld [tilespmem:s16+$0x60];
	vm8 =	vge.f32 v23, $0.0e+00;
	v50 =	vmul.f32 $3.200000000e+02, v23;
	v35 =	vtrunc.f32 v35  }
0xac: {  	v14 =	vpop (erf);
	vm1 =	vmand vm3, vm1;
	vm3 =	vmand vm6, vm0;
	(erf) = vrcp.f32 v29  }
0xad: {  	v21 =	vld [tilespmem:s16+$0x9320];
	vm6 =	vlt.f32 v12, $1.000000000e+00;
	v29 =	vtrunc.f32 v46;
	v35 =	vcvt.f32.s32 v35  }
0xae: {  	v19 =	vld [tilespmem:s16+$0x70];
	v14 =	vadd.f32 $1.000000000e+00, v14;
	v56 =	vtrunc.f32 v38;
	v58 =	vtrunc.f32 v40  }
0xaf: {  	v16 =	vpop (erf);
	vm2 =	vmand vm4, vm5;
	vm4 =	vmand vm8, vm9;
	(erf) = vrcp.f32 v22  }
0xb0: {  	vm9 =	vmand vm10, vm11;
	v25 =	vmul.f32 v18, v0;
	v18 =	vmul.f32 $9.600000000e+01, v6  }
0xb1: {  	v16 =	vadd.f32 $1.000000000e+00, v16;
	v29 =	vcvt.f32.s32 v29;
	v38 =	vcvt.f32.s32 v58  }
0xb2: {  	(erf) = vrcp.f32 v14;
	v44 =	vmul.u32 $0x7800, v21;
	v21 =	vtrunc.f32 v48  }
0xb3: {  	vm5 =	vlt.f32 v11, $1.000000000e+00;
	v26 =	vmul.f32 v19, v0;
	(erf) = vrcp.f32 v16  }
0xb4: {  	vm8 =	vmand vm7, vm5;
	v16 =	vmul.f32 $9.600000000e+01, v5;
	v51 =	vmul.f32 $3.200000000e+02, v25  }
0xb5: {  	v18 =	vtrunc.f32 v18;
	vm12 =	vge.f32 v25, $0.0e+00;
	v45 =	vcvt.f32.s32 v21  }
0xb6: {  	v21 =	vmul.u32 $0x140, v29;
	v29 =	vsel vm1, $0xFFFFFFFF, v63;
	v54 =	vcvt.f32.s32 v18  }
0xb7: {  	vm0 =	vlt.f32 v25, $1.000000000e+00;
	v18 =	vtrunc.f32 v36;
	v36 =	vcvt.f32.s32 v56  }
0xb8: {  	v22 =	vld [tilespmem:s16+$0x9330];
	vm10 =	vmand vm12, vm13;
	vm12 =	vlt.f32 v13, $1.000000000e+00;
	vm13 =	vlt.f32 v15, $1.000000000e+00  }
0xb9: {  	v42 =	vmul.f32 $3.200000000e+02, v26;
	v16 =	vtrunc.f32 v16;
	vm14 =	vge.f32 v26, $0.0e+00  }
0xba: {  	v14 =	vld [tilespmem:s16+$0x9340];
	v60 =	vtrunc.f32 v51;
	v62 =	vcvt.f32.s32 v18;
	v18 =	vmul.u32 $0x140, v17  }
0xbb: {  	v17 =	vmul.u32 $0x140, v33;
	vm1 =	vlt.f32 v26, $1.000000000e+00;
	v25 =	vadd.s32 v45, v28  }
0xbc: {  	vm0 =	vmand vm10, vm0;
	vm10 =	vlt.f32 v8, $1.000000000e+00;
	v16 =	vcvt.f32.s32 v16  }
0xbd: {  	v19 =	vld [tilespmem:s16+$0x9350];
	v55 =	vmul.u32 $0x7800, v22;
	v22 =	vtrunc.f32 v49;
	v40 =	vcvt.f32.s32 v60  }
0xbe: {  	vm11 =	vmand vm14, vm15;
	vm14 =	vlt.f32 v23, $1.000000000e+00;
	vm15 =	vlt.f32 v24, $1.000000000e+00  }
0xbf: {  	v32 =	vpop (erf);
	v57 =	vmul.u32 $0x7800, v14;
	v14 =	vtrunc.f32 v50;
	v61 =	vtrunc.f32 v42  }
0xc0: {  	[tilespmem:$0x1FFE0] =	vst v29;
	v47 =	vpop (erf);
	v46 =	vcvt.f32.s32 v22;
	v26 =	vadd.s32 v62, v27;
	vm4 =	vmand vm4, vm14  }
0xc1: {  	v37 =	vpop (erf);
	v27 =	vld [tilespmem:$0x1FFE0];
	vm1 =	vmand vm11, vm1;
	vm14 =	vlt.f32 v5, $1.000000000e+00;
	vm11 =	vlt.f32 v7, $1.000000000e+00  }
0xc2: {  	[tilespmem:s16+$0xF800] =	vst v47;
	v39 =	vpop (erf);
	v59 =	vmul.u32 $0x7800, v19;
	v19 =	vmul.u32 $0x140, v20;
	v47 =	vcvt.f32.s32 v14  }
0xc3: {  	[tilespmem:s16+$0xF870] =	vst v32;
	v22 =	vmul.u32 $0x140, v16;
	v20 =	vmul.u32 $0x140, v54;
	v16 =	vmul.u32 $0x140, v30;
	v41 =	vpop (erf)  }
0xc4: {  	p6 =	sne.s32 s18, $0xC200;
	v14 =	vmul.u32 $0x140, v35;
	v13 =	vadd.s32 v36, v55;
	[tilespmem:s16+$0xF830] =	vst v41;
	v41 =	vcvt.f32.s32 v61  }
.Ltmp1:
0xc5: {  	[tilespmem:s16+$0xF810] =	vst v37;
	v23 =	vadd.s32 v40, v31;
	v24 =	vadd.s32 v46, v44;
	v15 =	vadd.s32 v47, v57;
	(pc) =	sbr.rel @p6 .LBB2_4-.Ltmp1, $4  }
0xc6: {  	[tilespmem:s16+$0xF820] =	vst v39;
	v43 =	vpop (erf);
	v11 =	vadd.s32 v38, v59;
	v12 =	vadd.s32 v41, v34;
	vm5 =	vnez.u8 v27  }
0xc7: {  	[tilespmem:s16+$0xF840] =	vst v43;
	v52 =	vpop (erf);
	vm7 =	vmand vm5, vm6;
	vm6 =	vmand vm2, vm12;
	vm5 =	vmand vm3, vm13  }
0xc8: {  	[tilespmem:s16+$0xF850] =	vst v52;
	v53 =	vpop (erf);
	vm3 =	vmand vm9, vm15;
	vm15 =	vlt.f32 v3, $1.000000000e+00;
	vm13 =	vlt.f32 v4, $1.000000000e+00  }
0xc9: {  	s17 =	sshra.s32 s18, $0x2;
	s18 =	sadd.s32 $0x200, s18;
	[tilespmem:s16+$0xF860] =	vst v53;
	vm12 =	vlt.f32 v6, $1.000000000e+00;
	vm9 =	vlt.f32 v9, $1.000000000e+00;
	vm2 =	vlt.f32 v10, $1.000000000e+00  }
0xca: {  	v3 =	vld [tilespmem:s17+$0x6270]  }
0xcb: {  	v4 =	vld [tilespmem:s17+$0x6200]  }
0xcc: {  	v5 =	vld [tilespmem:s17+$0x6210];
	v8 =	vadd.s32 v18, v26;
	vm8 =	vmand vm15, vm8  }
0xcd: {  	v6 =	vld [tilespmem:s17+$0x6220];
	v59 =	vadd.s32 v19, v25;
	vm7 =	vmand vm13, vm7;
	v62 =	vadd.s32 v22, v24  }
0xce: {  	v7 =	vld [tilespmem:s17+$0x6230];
	vm6 =	vmand vm14, vm6;
	v13 =	vadd.s32 v20, v13;
	v15 =	vadd.s32 v21, v15  }
0xcf: {  	v10 =	vld [tilespmem:s17+$0x6250];
	vm5 =	vmand vm12, vm5;
	v24 =	vadd.s32 v16, v11;
	v8 =	vnsel vm8, $0x1E000, v8  }
0xd0: {  	v9 =	vld [tilespmem:s17+$0x6240];
	v25 =	vadd.s32 v17, v23;
	v12 =	vadd.s32 v14, v12;
	v60 =	vnsel vm7, $0x1E000, v59;
	[tilespmem:s16+$0xC400] =	vst v8  }
0xd1: {  	vm4 =	vmand vm10, vm4;
	vm3 =	vmand vm11, vm3;
	v63 =	vnsel vm6, $0x1E000, v62;
	v61 =	vld [tilespmem:s17+$0x6260];
	[tilespmem:s16+$0xC410] =	vst v60  }
0xd2: {  	v13 =	vnsel vm5, $0x1E000, v13;
	v27 =	vnsel vm4, $0x1E000, v15;
	v22 =	vld [tilespmem:s17+$0x3100];
	[tilespmem:s16+$0xC420] =	vst v63;
	v3 =	vsub.f32 $0.0e+00, v3  }
0xd3: {  	v34 =	vnsel vm3, $0x1E000, v24;
	v26 =	vld [tilespmem:s17+$0x3110];
	[tilespmem:s16+$0xC430] =	vst v13;
	v4 =	vsub.f32 $0.0e+00, v4;
	v5 =	vsub.f32 $0.0e+00, v5  }
0xd4: {  	v7 =	vsub.f32 $0.0e+00, v7;
	v33 =	vsub.f32 $0.0e+00, v10;
	v28 =	vld [tilespmem:s17+$0x3120];
	[tilespmem:s16+$0xC440] =	vst v27;
	v3 =	vmul.f32 $1.442695020e+00, v3  }
0xd5: {  	v6 =	vsub.f32 $0.0e+00, v6;
	v4 =	vmul.f32 $1.442695020e+00, v4;
	v5 =	vmul.f32 $1.442695020e+00, v5;
	v29 =	vld [tilespmem:s17+$0x3140]  }
0xd6: {  	v30 =	vsub.f32 $0.0e+00, v9;
	v31 =	vmul.f32 $1.442695020e+00, v7;
	v32 =	vld [tilespmem:s17+$0x3150];
	v37 =	vmul.f32 $1.442695020e+00, v33  }
0xd7: {  	v35 =	vld [tilespmem:s17+$0x3160];
	v36 =	vsub.f32 $0.0e+00, v61;
	(erf) = vpow2.f32 v3;
	v3 =	vmul.f32 $1.442695020e+00, v6  }
0xd8: {  	vm0 =	vmand vm9, vm0;
	v13 =	vld [tilespmem:s17+$0x3130];
	[tilespmem:s16+$0xC450] =	vst v34;
	v6 =	vmul.f32 $1.442695020e+00, v30;
	(erf) = vpow2.f32 v4  }
0xd9: {  	vm14 =	vmand vm2, vm1;
	v38 =	vld [tilespmem:s17+$0x3170];
	v39 =	vmul.f32 $1.442695020e+00, v36;
	(erf) = vpow2.f32 v5  }
0xda: {  	v4 =	vmul.f32 v26, v1;
	(erf) = vpow2.f32 v3;
	v3 =	vnsel vm0, $0x1E000, v25  }
0xdb: {  	v40 =	vnsel vm14, $0x1E000, v12;
	v5 =	vmul.f32 v28, v1;
	v7 =	vmul.f32 v29, v1;
	[tilespmem:s16+$0xC460] =	vst v3  }
0xdc: {  	v8 =	vmul.f32 v32, v1;
	v9 =	vmul.f32 v35, v1;
	v41 =	vld [tilespmem:s17+$0x0];
	[tilespmem:s16+$0xC470] =	vst v40  }
0xdd: {  	v49 =	vmul.f32 $9.600000000e+01, v4;
	(erf) = vpow2.f32 v31;
	v42 =	vld [tilespmem:s17+$0x10]  }
0xde: {  	v3 =	vmul.f32 v22, v1;
	v10 =	vmul.f32 v38, v1;
	v43 =	vld [tilespmem:s17+$0x20]  }
0xdf: {  	(erf) = vpow2.f32 v6;
	v6 =	vmul.f32 v13, v1;
	v46 =	vld [tilespmem:s17+$0x30]  }
0xe0: {  	vm1 =	vge.f32 v4, $0.0e+00;
	v19 =	vtrunc.f32 v49;
	(erf) = vpow2.f32 v37;
	v50 =	vld [tilespmem:s17+$0x40]  }
0xe1: {  	vm5 =	vge.f32 v5, $0.0e+00;
	v45 =	vmul.f32 $9.600000000e+01, v3;
	v52 =	vld [tilespmem:s17+$0x50];
	v19 =	vcvt.f32.s32 v19  }
0xe2: {  	vm9 =	vge.f32 v7, $0.0e+00;
	v56 =	vld [tilespmem:s17+$0x60];
	(erf) = vpow2.f32 v39;
	v40 =	vmul.f32 $9.600000000e+01, v6  }
0xe3: {  	vm11 =	vge.f32 v8, $0.0e+00;
	v58 =	vld [tilespmem:s17+$0x70];
	v39 =	vmul.f32 $9.600000000e+01, v5;
	v15 =	vtrunc.f32 v45  }
0xe4: {  	vm13 =	vge.f32 v9, $0.0e+00;
	v35 =	vld [tilespmem:s17+$0x9300];
	v22 =	vtrunc.f32 v40;
	v15 =	vcvt.f32.s32 v15  }
0xe5: {  	vm0 =	vge.f32 v3, $0.0e+00;
	v36 =	vld [tilespmem:s17+$0x9310];
	v44 =	vpop (erf);
	v12 =	vmul.f32 v41, v0;
	v41 =	vmul.f32 $9.600000000e+01, v7  }
0xe6: {  	v37 =	vld [tilespmem:s17+$0x9320];
	v14 =	vadd.f32 $1.000000000e+00, v44;
	v44 =	vmul.f32 $9.600000000e+01, v10;
	v22 =	vcvt.f32.s32 v22  }
0xe7: {  	v38 =	vld [tilespmem:s17+$0x9330];
	vm15 =	vge.f32 v10, $0.0e+00;
	v54 =	vmul.f32 v42, v0;
	v13 =	vmul.f32 v43, v0  }
0xe8: {  	vm7 =	vge.f32 v6, $0.0e+00;
	v17 =	vmul.f32 v46, v0;
	v20 =	vmul.f32 v50, v0  }
0xe9: {  	v19 =	vmul.u32 $0x140, v19;
	v47 =	vpop (erf);
	v21 =	vmul.f32 v52, v0;
	v62 =	vmul.f32 v56, v0  }
0xea: {  	v48 =	vadd.f32 $1.000000000e+00, v47;
	v63 =	vmul.f32 v58, v0;
	v42 =	vmul.f32 $9.600000000e+01, v8  }
0xeb: {  	v43 =	vmul.f32 $9.600000000e+01, v9;
	v35 =	vmul.u32 $0x7800, v35;
	v36 =	vmul.u32 $0x7800, v36  }
0xec: {  	v51 =	vpop (erf);
	v37 =	vmul.u32 $0x7800, v37;
	v38 =	vmul.u32 $0x7800, v38;
	v15 =	vmul.u32 $0x140, v15  }
0xed: {  	v11 =	vadd.f32 $1.000000000e+00, v51;
	(erf) = vrcp.f32 v14;
	v27 =	vmul.f32 $3.200000000e+02, v12  }
0xee: {  	v53 =	vpop (erf);
	vm2 =	vge.f32 v12, $0.0e+00;
	v23 =	vtrunc.f32 v41;
	v26 =	vtrunc.f32 v44  }
0xef: {  	v22 =	vmul.u32 $0x140, v22;
	v55 =	vadd.f32 $1.000000000e+00, v53;
	(erf) = vrcp.f32 v48  }
0xf0: {  	vm3 =	vge.f32 v54, $0.0e+00;
	vm4 =	vge.f32 v13, $0.0e+00;
	v28 =	vmul.f32 $3.200000000e+02, v54  }
0xf1: {  	vm6 =	vge.f32 v17, $0.0e+00;
	v29 =	vmul.f32 $3.200000000e+02, v13;
	v30 =	vmul.f32 $3.200000000e+02, v17  }
0xf2: {  	vm8 =	vge.f32 v20, $0.0e+00;
	v31 =	vmul.f32 $3.200000000e+02, v20;
	v32 =	vmul.f32 $3.200000000e+02, v21  }
0xf3: {  	v40 =	vld [tilespmem:s17+$0x9350];
	v33 =	vmul.f32 $3.200000000e+02, v62;
	v34 =	vmul.f32 $3.200000000e+02, v63;
	vm10 =	vge.f32 v21, $0.0e+00  }
0xf4: {  	vm12 =	vge.f32 v62, $0.0e+00;
	v24 =	vtrunc.f32 v42;
	v25 =	vtrunc.f32 v43  }
0xf5: {  	vm14 =	vge.f32 v63, $0.0e+00;
	v23 =	vcvt.f32.s32 v23;
	v26 =	vcvt.f32.s32 v26  }
0xf6: {  	v57 =	vpop (erf);
	vm2 =	vmand vm2, vm0;
	(erf) = vrcp.f32 v11;
	v24 =	vcvt.f32.s32 v24  }
0xf7: {  	v18 =	vadd.f32 $1.000000000e+00, v57;
	v25 =	vcvt.f32.s32 v25;
	v27 =	vtrunc.f32 v27  }
0xf8: {  	v40 =	vmul.u32 $0x7800, v40;
	vm1 =	vmand vm3, vm1;
	vm3 =	vmand vm4, vm5  }
0xf9: {  	vm5 =	vmand vm6, vm7;
	vm6 =	vmand vm8, vm9;
	vm7 =	vmand vm10, vm11  }
0xfa: {  	vm0 =	vmand vm12, vm13;
	vm8 =	vlt.f32 v12, $1.000000000e+00;
	vm9 =	vlt.f32 v54, $1.000000000e+00  }
0xfb: {  	vm4 =	vmand vm14, vm15;
	vm10 =	vlt.f32 v13, $1.000000000e+00;
	vm11 =	vlt.f32 v17, $1.000000000e+00  }
0xfc: {  	vm12 =	vlt.f32 v20, $1.000000000e+00;
	vm13 =	vlt.f32 v21, $1.000000000e+00;
	(erf) = vrcp.f32 v55  }
0xfd: {  	vm14 =	vlt.f32 v62, $1.000000000e+00;
	v28 =	vtrunc.f32 v28;
	v29 =	vtrunc.f32 v29  }
0xfe: {  	v59 =	vpop (erf);
	vm15 =	vlt.f32 v63, $1.000000000e+00;
	v30 =	vtrunc.f32 v30;
	v31 =	vtrunc.f32 v31  }
0xff: {  	v11 =	vadd.f32 $1.000000000e+00, v59;
	v32 =	vtrunc.f32 v32;
	v33 =	vtrunc.f32 v33  }
0x100: {  	v34 =	vtrunc.f32 v34;
	v27 =	vcvt.f32.s32 v27;
	v23 =	vmul.u32 $0x140, v23  }
0x101: {  	v26 =	vmul.u32 $0x140, v26;
	vm8 =	vmand vm2, vm8;
	vm9 =	vmand vm1, vm9  }
0x102: {  	vm10 =	vmand vm3, vm10;
	vm5 =	vmand vm5, vm11;
	vm3 =	vmand vm6, vm12  }
0x103: {  	vm1 =	vmand vm7, vm13;
	vm0 =	vmand vm0, vm14;
	vm6 =	vlt.f32 v3, $1.000000000e+00  }
0x104: {  	v60 =	vpop (erf);
	vm7 =	vlt.f32 v4, $1.000000000e+00;
	vm2 =	vmand vm4, vm15;
	vm4 =	vlt.f32 v5, $1.000000000e+00  }
0x105: {  	vm11 =	vlt.f32 v6, $1.000000000e+00;
	v16 =	vadd.f32 $1.000000000e+00, v60;
	(erf) = vrcp.f32 v18;
	v61 =	vpop (erf)  }
0x106: {  	v30 =	vcvt.f32.s32 v30;
	v18 =	vadd.f32 $1.000000000e+00, v61;
	(erf) = vrcp.f32 v11  }
0x107: {  	vm6 =	vmand vm6, vm8;
	v45 =	vadd.s32 v27, v35;
	(erf) = vrcp.f32 v16  }
0x108: {  	v49 =	vadd.s32 v30, v38;
	v58 =	vadd.s32 v15, v45;
	(erf) = vrcp.f32 v18  }
0x109: {  	vm5 =	vmand vm11, vm5;
	v4 =	vnsel vm6, $0x1E000, v58;
	v60 =	vadd.s32 v22, v49  }
0x10a: {  	vm12 =	vlt.f32 v7, $1.000000000e+00;
	v28 =	vcvt.f32.s32 v28;
	[tilespmem:s17+$0xC400] =	vst v4;
	v4 =	vnsel vm5, $0x1E000, v60;
	v47 =	vpop (erf)  }
0x10b: {  	v41 =	vld [tilespmem:s17+$0x9360];
	vm13 =	vlt.f32 v8, $1.000000000e+00;
	v29 =	vcvt.f32.s32 v29;
	v31 =	vcvt.f32.s32 v31;
	[tilespmem:s17+$0xC430] =	vst v4;
	v51 =	vpop (erf)  }
0x10c: {  	vm14 =	vlt.f32 v9, $1.000000000e+00;
	v32 =	vcvt.f32.s32 v32;
	v18 =	vtrunc.f32 v39;
	v39 =	vld [tilespmem:s17+$0x9340];
	[tilespmem:s17+$0xF870] =	vst v47;
	v54 =	vpop (erf)  }
0x10d: {  	v42 =	vld [tilespmem:s17+$0x9370];
	vm15 =	vlt.f32 v10, $1.000000000e+00;
	v33 =	vcvt.f32.s32 v33;
	v34 =	vcvt.f32.s32 v34;
	[tilespmem:s17+$0xF800] =	vst v51;
	v56 =	vpop (erf)  }
0x10e: {  	v24 =	vmul.u32 $0x140, v24;
	v25 =	vmul.u32 $0x140, v25;
	vm7 =	vmand vm7, vm9;
	[tilespmem:s17+$0xF810] =	vst v54;
	v57 =	vpop (erf)  }
0x10f: {  	vm4 =	vmand vm4, vm10;
	vm3 =	vmand vm12, vm3;
	v18 =	vcvt.f32.s32 v18;
	[tilespmem:s17+$0xF820] =	vst v56;
	v3 =	vpop (erf)  }
0x110: {  	vm1 =	vmand vm13, vm1;
	vm0 =	vmand vm14, vm0;
	v41 =	vmul.u32 $0x7800, v41;
	[tilespmem:s17+$0xF840] =	vst v3;
	v3 =	vpop (erf)  }
0x111: {  	v46 =	vadd.s32 v28, v36;
	v18 =	vmul.u32 $0x140, v18;
	v39 =	vmul.u32 $0x7800, v39;
	[tilespmem:s17+$0xF850] =	vst v3;
	v3 =	vpop (erf)  }
0x112: {  	v42 =	vmul.u32 $0x7800, v42;
	v48 =	vadd.s32 v29, v37;
	[tilespmem:s17+$0xF860] =	vst v3;
	v3 =	vadd.s32 v19, v46  }
0x113: {  	v59 =	vadd.s32 v18, v48;
	v50 =	vadd.s32 v31, v39;
	[tilespmem:s17+$0xF830] =	vst v57;
	v3 =	vnsel vm7, $0x1E000, v3  }
0x114: {  	v52 =	vadd.s32 v32, v40;
	v5 =	vnsel vm4, $0x1E000, v59;
	[tilespmem:s17+$0xC410] =	vst v3;
	v3 =	vadd.s32 v23, v50  }
.Ltmp2:
0x115: {  	v53 =	vadd.s32 v33, v41;
	v61 =	vadd.s32 v24, v52;
	[tilespmem:s17+$0xC420] =	vst v5;
	v3 =	vnsel vm3, $0x1E000, v3;
	(pc) =	sbr.rel @!p0 .LBB2_6-.Ltmp2, $4  }
0x116: {  	v55 =	vadd.s32 v34, v42;
	v62 =	vadd.s32 v25, v53;
	[tilespmem:s17+$0xC440] =	vst v3;
	v3 =	vnsel vm1, $0x1E000, v61  }
0x117: {  	vm15 =	vmand vm15, vm2;
	v63 =	vadd.s32 v26, v55;
	[tilespmem:s17+$0xC450] =	vst v3;
	v3 =	vnsel vm0, $0x1E000, v62  }
0x118: {  	[tilespmem:s17+$0xC460] =	vst v3;
	v3 =	vnsel vm15, $0x1E000, v63  }
0x119: {  	[tilespmem:s17+$0xC470] =	vst v3  }
.Ltmp3:
0x11a: {  	(pc) =	sbr.rel @p1 .LBB2_13-.Ltmp3, $3  }
0x11b: {  	_ =	sdelay $0x1  }
0x11c: {  	[bflag:$0x0] =	sbarrier.arrive $0xFFFF  }
0x11d: {  	s16 =	simm.s32 $0x0  }
0x11e: {  	s17 =	sshra.s32 s16, $0x2  }
0x11f: {  	s18 =	sadd.s32 $0xF800, s17;
	s17 =	sadd.s32 $0xC400, s17  }
0x120: {  	[spmem:s1] =	stream.indirect.scatter [tilespmem:s18], [sflag:$0x1], $0x1, s17, s14, $0xb8;
	[tilespmem:$0x14A10] =	vst v63  }
0x121: {  	s16 =	sadd.s32 $0x200, s16;
	_ =	swait.ge [sflag:s10], $0x80  }
.LBB2_11:
0x122: {  	s17 =	sshra.s32 s16, $0x2  }
0x123: {  	[sflag:s10] =	ssyncset.done $0x0;
	p6 =	sne.s32 s16, $0xC200;
	s18 =	sadd.s32 $0xF800, s17  }
.Ltmp4:
0x124: {  	s17 =	sadd.s32 $0xC400, s17;
	[sflag:s10] =	ssyncadd.s32 $0xFFFFFF80;
	(pc) =	sbr.rel @p6 .LBB2_11-.Ltmp4, $3  }
0x125: {  	[spmem:s1] =	stream.indirect.scatter [tilespmem:s18], [sflag:$0x1], $0x1, s17, s14, $0xb8;
	[tilespmem:$0x14A10] =	vst v63  }
0x126: {  	s16 =	sadd.s32 $0x200, s16;
	_ =	sdelay $0x1  }
0x127: {  	_ =	swait.ge [sflag:s10], $0x80  }
0x128: {  	[sflag:s10] =	ssyncset.done $0x0  }
0x129: {  	[sflag:s10] =	ssyncadd.s32 $0xFFFFFF80  }
0x12a: {  	[bflag:$0x0] =	sbarrier.arrive $0xFFFF  }
0x12b: {  	[bflag:$0x0] =	sbarrier.arrive $0xFFFF  }
0x12c: {  	[bflag:$0x0] =	sbarrier.arrive $0xFFFF  }
0x12d: {  	[bflag:$0x0] =	sbarrier.arrive $0xFFFF  }
0x12e: {  	[bflag:$0x0] =	sbarrier.arrive $0xFFFF  }
0x12f: {  	[bflag:$0x0] =	sbarrier.arrive $0xFFFF  }
.Ltmp5:
0x130: {  	[bflag:$0x0] =	sbarrier.arrive $0xFFFF;
	(pc) =	sbr.rel .LBB2_53-.Ltmp5, $3  }
0x131: {  	[bflag:$0x0] =	sbarrier.arrive $0xFFFF  }
0x132: {  	[bflag:$0x0] =	sbarrier.arrive $0xFFFF  }
0x133: {  	[bflag:$0x0] =	sbarrier.arrive $0xFFFF;
	_ =	sdelay $0x1  }
.LBB2_6:
0x134: {  	s16 =	simm.s32 $0xF800;
	s17 =	simm.s32 $0xC400  }
0x135: {  	[spmem:s1] =	stream.indirect.scatter [tilespmem:s16], [sflag:$0x1], $0x1, s17, s14, $0xb8;
	[tilespmem:$0x14A10] =	vst v63  }
0x136: {  	s16 =	simm.s32 $0x200;
	_ =	swait.ge [sflag:s10], $0x80  }
.LBB2_7:
0x137: {  	s17 =	sshra.s32 s16, $0x2  }
0x138: {  	[sflag:s10] =	ssyncset.done $0x0;
	p6 =	sne.s32 s16, $0xC200;
	s18 =	sadd.s32 $0xF800, s17  }
.Ltmp6:
0x139: {  	s17 =	sadd.s32 $0xC400, s17;
	[sflag:s10] =	ssyncadd.s32 $0xFFFFFF80;
	(pc) =	sbr.rel @p6 .LBB2_7-.Ltmp6, $3  }
0x13a: {  	[spmem:s1] =	stream.indirect.scatter [tilespmem:s18], [sflag:$0x1], $0x1, s17, s14, $0xb8;
	[tilespmem:$0x14A10] =	vst v63  }
0x13b: {  	s16 =	sadd.s32 $0x200, s16;
	_ =	sdelay $0x1  }
0x13c: {  	_ =	swait.ge [sflag:s10], $0x80  }
0x13d: {  	[sflag:s10] =	ssyncset.done $0x0  }
0x13e: {  	[sflag:s10] =	ssyncadd.s32 $0xFFFFFF80  }
0x13f: {  	[bflag:$0x0] =	sbarrier.arrive $0xFFFF  }
0x140: {  	[bflag:$0x0] =	sbarrier.arrive $0xFFFF  }
0x141: {  	[bflag:$0x0] =	sbarrier.arrive $0xFFFF  }
0x142: {  	[bflag:$0x0] =	sbarrier.arrive $0xFFFF  }
0x143: {  	[bflag:$0x0] =	sbarrier.arrive $0xFFFF  }
0x144: {  	[bflag:$0x0] =	sbarrier.arrive $0xFFFF  }
0x145: {  	[bflag:$0x0] =	sbarrier.arrive $0xFFFF  }
.Ltmp7:
0x146: {  	[bflag:$0x0] =	sbarrier.arrive $0xFFFF;
	(pc) =	sbr.rel .LBB2_53-.Ltmp7, $3  }
0x147: {  	[bflag:$0x0] =	sbarrier.arrive $0xFFFF  }
0x148: {  	[bflag:$0x0] =	sbarrier.arrive $0xFFFF  }
0x149: {  	[bflag:$0x0] =	sbarrier.arrive $0xFFFF;
	_ =	sdelay $0x1  }
.LBB2_13:
.Ltmp8:
0x14a: {  	(pc) =	sbr.rel @p2 .LBB2_17-.Ltmp8, $3  }
0x14b: {  	_ =	sdelay $0x1  }
0x14c: {  	[bflag:$0x0] =	sbarrier.arrive $0xFFFF  }
0x14d: {  	s16 =	simm.s32 $0x0  }
0x14e: {  	s17 =	sshra.s32 s16, $0x2  }
0x14f: {  	s18 =	sadd.s32 $0xF800, s17;
	s17 =	sadd.s32 $0xC400, s17  }
0x150: {  	[spmem:s1] =	stream.indirect.scatter [tilespmem:s18], [sflag:$0x1], $0x1, s17, s14, $0xb8;
	[tilespmem:$0x14A10] =	vst v63  }
0x151: {  	s16 =	sadd.s32 $0x200, s16;
	_ =	swait.ge [sflag:s10], $0x80  }
.LBB2_15:
0x152: {  	s17 =	sshra.s32 s16, $0x2  }
0x153: {  	[sflag:s10] =	ssyncset.done $0x0;
	p6 =	sne.s32 s16, $0xC200;
	s18 =	sadd.s32 $0xF800, s17  }
.Ltmp9:
0x154: {  	s17 =	sadd.s32 $0xC400, s17;
	[sflag:s10] =	ssyncadd.s32 $0xFFFFFF80;
	(pc) =	sbr.rel @p6 .LBB2_15-.Ltmp9, $3  }
0x155: {  	[spmem:s1] =	stream.indirect.scatter [tilespmem:s18], [sflag:$0x1], $0x1, s17, s14, $0xb8;
	[tilespmem:$0x14A10] =	vst v63  }
0x156: {  	s16 =	sadd.s32 $0x200, s16;
	_ =	sdelay $0x1  }
0x157: {  	_ =	swait.ge [sflag:s10], $0x80  }
0x158: {  	[sflag:s10] =	ssyncset.done $0x0  }
0x159: {  	[sflag:s10] =	ssyncadd.s32 $0xFFFFFF80  }
0x15a: {  	[bflag:$0x0] =	sbarrier.arrive $0xFFFF  }
0x15b: {  	[bflag:$0x0] =	sbarrier.arrive $0xFFFF  }
0x15c: {  	[bflag:$0x0] =	sbarrier.arrive $0xFFFF  }
0x15d: {  	[bflag:$0x0] =	sbarrier.arrive $0xFFFF  }
0x15e: {  	[bflag:$0x0] =	sbarrier.arrive $0xFFFF  }
.Ltmp10:
0x15f: {  	[bflag:$0x0] =	sbarrier.arrive $0xFFFF;
	(pc) =	sbr.rel .LBB2_53-.Ltmp10, $3  }
0x160: {  	[bflag:$0x0] =	sbarrier.arrive $0xFFFF  }
0x161: {  	[bflag:$0x0] =	sbarrier.arrive $0xFFFF  }
0x162: {  	[bflag:$0x0] =	sbarrier.arrive $0xFFFF;
	_ =	sdelay $0x1  }
.LBB2_17:
.Ltmp11:
0x163: {  	(pc) =	sbr.rel @p3 .LBB2_21-.Ltmp11, $3  }
0x164: {  	_ =	sdelay $0x1  }
0x165: {  	[bflag:$0x0] =	sbarrier.arrive $0xFFFF  }
0x166: {  	s16 =	simm.s32 $0x0  }
0x167: {  	s17 =	sshra.s32 s16, $0x2  }
0x168: {  	s18 =	sadd.s32 $0xF800, s17;
	s17 =	sadd.s32 $0xC400, s17  }
0x169: {  	[spmem:s1] =	stream.indirect.scatter [tilespmem:s18], [sflag:$0x1], $0x1, s17, s14, $0xb8;
	[tilespmem:$0x14A10] =	vst v63  }
0x16a: {  	s16 =	sadd.s32 $0x200, s16;
	_ =	swait.ge [sflag:s10], $0x80  }
.LBB2_19:
0x16b: {  	s17 =	sshra.s32 s16, $0x2  }
0x16c: {  	[sflag:s10] =	ssyncset.done $0x0;
	p6 =	sne.s32 s16, $0xC200;
	s18 =	sadd.s32 $0xF800, s17  }
.Ltmp12:
0x16d: {  	s17 =	sadd.s32 $0xC400, s17;
	[sflag:s10] =	ssyncadd.s32 $0xFFFFFF80;
	(pc) =	sbr.rel @p6 .LBB2_19-.Ltmp12, $3  }
0x16e: {  	[spmem:s1] =	stream.indirect.scatter [tilespmem:s18], [sflag:$0x1], $0x1, s17, s14, $0xb8;
	[tilespmem:$0x14A10] =	vst v63  }
0x16f: {  	s16 =	sadd.s32 $0x200, s16;
	_ =	sdelay $0x1  }
0x170: {  	_ =	swait.ge [sflag:s10], $0x80  }
0x171: {  	[sflag:s10] =	ssyncset.done $0x0  }
0x172: {  	[sflag:s10] =	ssyncadd.s32 $0xFFFFFF80  }
0x173: {  	[bflag:$0x0] =	sbarrier.arrive $0xFFFF  }
0x174: {  	[bflag:$0x0] =	sbarrier.arrive $0xFFFF  }
0x175: {  	[bflag:$0x0] =	sbarrier.arrive $0xFFFF  }
0x176: {  	[bflag:$0x0] =	sbarrier.arrive $0xFFFF  }
.Ltmp13:
0x177: {  	[bflag:$0x0] =	sbarrier.arrive $0xFFFF;
	(pc) =	sbr.rel .LBB2_53-.Ltmp13, $3  }
0x178: {  	[bflag:$0x0] =	sbarrier.arrive $0xFFFF  }
0x179: {  	[bflag:$0x0] =	sbarrier.arrive $0xFFFF  }
0x17a: {  	[bflag:$0x0] =	sbarrier.arrive $0xFFFF;
	_ =	sdelay $0x1  }
.LBB2_21:
.Ltmp14:
0x17b: {  	(pc) =	sbr.rel @p4 .LBB2_25-.Ltmp14, $3  }
0x17c: {  	_ =	sdelay $0x1  }
0x17d: {  	[bflag:$0x0] =	sbarrier.arrive $0xFFFF  }
0x17e: {  	s16 =	simm.s32 $0x0  }
0x17f: {  	s17 =	sshra.s32 s16, $0x2  }
0x180: {  	s18 =	sadd.s32 $0xF800, s17;
	s17 =	sadd.s32 $0xC400, s17  }
0x181: {  	[spmem:s1] =	stream.indirect.scatter [tilespmem:s18], [sflag:$0x1], $0x1, s17, s14, $0xb8;
	[tilespmem:$0x14A10] =	vst v63  }
0x182: {  	s16 =	sadd.s32 $0x200, s16;
	_ =	swait.ge [sflag:s10], $0x80  }
.LBB2_23:
0x183: {  	s17 =	sshra.s32 s16, $0x2  }
0x184: {  	[sflag:s10] =	ssyncset.done $0x0;
	p6 =	sne.s32 s16, $0xC200;
	s18 =	sadd.s32 $0xF800, s17  }
.Ltmp15:
0x185: {  	s17 =	sadd.s32 $0xC400, s17;
	[sflag:s10] =	ssyncadd.s32 $0xFFFFFF80;
	(pc) =	sbr.rel @p6 .LBB2_23-.Ltmp15, $3  }
0x186: {  	[spmem:s1] =	stream.indirect.scatter [tilespmem:s18], [sflag:$0x1], $0x1, s17, s14, $0xb8;
	[tilespmem:$0x14A10] =	vst v63  }
0x187: {  	s16 =	sadd.s32 $0x200, s16;
	_ =	sdelay $0x1  }
0x188: {  	_ =	swait.ge [sflag:s10], $0x80  }
0x189: {  	[sflag:s10] =	ssyncset.done $0x0  }
0x18a: {  	[sflag:s10] =	ssyncadd.s32 $0xFFFFFF80  }
0x18b: {  	[bflag:$0x0] =	sbarrier.arrive $0xFFFF  }
0x18c: {  	[bflag:$0x0] =	sbarrier.arrive $0xFFFF  }
0x18d: {  	[bflag:$0x0] =	sbarrier.arrive $0xFFFF  }
.Ltmp16:
0x18e: {  	[bflag:$0x0] =	sbarrier.arrive $0xFFFF;
	(pc) =	sbr.rel .LBB2_53-.Ltmp16, $3  }
0x18f: {  	[bflag:$0x0] =	sbarrier.arrive $0xFFFF  }
0x190: {  	[bflag:$0x0] =	sbarrier.arrive $0xFFFF  }
0x191: {  	[bflag:$0x0] =	sbarrier.arrive $0xFFFF;
	_ =	sdelay $0x1  }
.LBB2_25:
.Ltmp17:
0x192: {  	(pc) =	sbr.rel @p5 .LBB2_29-.Ltmp17, $3  }
0x193: {  	_ =	sdelay $0x1  }
0x194: {  	[bflag:$0x0] =	sbarrier.arrive $0xFFFF  }
0x195: {  	s16 =	simm.s32 $0x0  }
0x196: {  	s17 =	sshra.s32 s16, $0x2  }
0x197: {  	s18 =	sadd.s32 $0xF800, s17;
	s17 =	sadd.s32 $0xC400, s17  }
0x198: {  	[spmem:s1] =	stream.indirect.scatter [tilespmem:s18], [sflag:$0x1], $0x1, s17, s14, $0xb8;
	[tilespmem:$0x14A10] =	vst v63  }
0x199: {  	s16 =	sadd.s32 $0x200, s16;
	_ =	swait.ge [sflag:s10], $0x80  }
.LBB2_27:
0x19a: {  	s17 =	sshra.s32 s16, $0x2  }
0x19b: {  	[sflag:s10] =	ssyncset.done $0x0;
	p6 =	sne.s32 s16, $0xC200;
	s18 =	sadd.s32 $0xF800, s17  }
.Ltmp18:
0x19c: {  	s17 =	sadd.s32 $0xC400, s17;
	[sflag:s10] =	ssyncadd.s32 $0xFFFFFF80;
	(pc) =	sbr.rel @p6 .LBB2_27-.Ltmp18, $3  }
0x19d: {  	[spmem:s1] =	stream.indirect.scatter [tilespmem:s18], [sflag:$0x1], $0x1, s17, s14, $0xb8;
	[tilespmem:$0x14A10] =	vst v63  }
0x19e: {  	s16 =	sadd.s32 $0x200, s16;
	_ =	sdelay $0x1  }
0x19f: {  	_ =	swait.ge [sflag:s10], $0x80  }
0x1a0: {  	[sflag:s10] =	ssyncset.done $0x0  }
0x1a1: {  	[sflag:s10] =	ssyncadd.s32 $0xFFFFFF80  }
0x1a2: {  	[bflag:$0x0] =	sbarrier.arrive $0xFFFF  }
0x1a3: {  	[bflag:$0x0] =	sbarrier.arrive $0xFFFF  }
.Ltmp19:
0x1a4: {  	[bflag:$0x0] =	sbarrier.arrive $0xFFFF;
	(pc) =	sbr.rel .LBB2_53-.Ltmp19, $3  }
0x1a5: {  	[bflag:$0x0] =	sbarrier.arrive $0xFFFF  }
0x1a6: {  	[bflag:$0x0] =	sbarrier.arrive $0xFFFF  }
0x1a7: {  	[bflag:$0x0] =	sbarrier.arrive $0xFFFF;
	_ =	sdelay $0x1  }
.LBB2_29:
0x1a8: {  	[bflag:$0x0] =	sbarrier.arrive $0xFFFF  }
0x1a9: {  	s17 =	sld [smem:$0x7F4];
	_ =	sdelay $0x2  }
0x1aa: {  	p6 =	seq.s32 s17, $0x1  }
.Ltmp20:
0x1ab: {  	_ = 	snop;
	(pc) =	sbr.rel @p6 .LBB2_33-.Ltmp20, $2  }
0x1ac: {  	_ =	sdelay $0x2  }
0x1ad: {  	s16 =	simm.s32 $0x0  }
0x1ae: {  	s17 =	sshra.s32 s16, $0x2  }
0x1af: {  	s18 =	sadd.s32 $0xF800, s17;
	s17 =	sadd.s32 $0xC400, s17  }
0x1b0: {  	[spmem:s1] =	stream.indirect.scatter [tilespmem:s18], [sflag:$0x1], $0x1, s17, s14, $0xb8;
	[tilespmem:$0x14A10] =	vst v63  }
0x1b1: {  	s16 =	sadd.s32 $0x200, s16;
	_ =	swait.ge [sflag:s10], $0x80  }
.LBB2_31:
0x1b2: {  	s17 =	sshra.s32 s16, $0x2  }
0x1b3: {  	[sflag:s10] =	ssyncset.done $0x0;
	p6 =	sne.s32 s16, $0xC200;
	s18 =	sadd.s32 $0xF800, s17  }
.Ltmp21:
0x1b4: {  	s17 =	sadd.s32 $0xC400, s17;
	[sflag:s10] =	ssyncadd.s32 $0xFFFFFF80;
	(pc) =	sbr.rel @p6 .LBB2_31-.Ltmp21, $3  }
0x1b5: {  	[spmem:s1] =	stream.indirect.scatter [tilespmem:s18], [sflag:$0x1], $0x1, s17, s14, $0xb8;
	[tilespmem:$0x14A10] =	vst v63  }
0x1b6: {  	s16 =	sadd.s32 $0x200, s16;
	_ =	sdelay $0x1  }
0x1b7: {  	_ =	swait.ge [sflag:s10], $0x80  }
0x1b8: {  	[sflag:s10] =	ssyncset.done $0x0  }
0x1b9: {  	[sflag:s10] =	ssyncadd.s32 $0xFFFFFF80  }
0x1ba: {  	[bflag:$0x0] =	sbarrier.arrive $0xFFFF  }
.Ltmp22:
0x1bb: {  	[bflag:$0x0] =	sbarrier.arrive $0xFFFF;
	(pc) =	sbr.rel .LBB2_53-.Ltmp22, $3  }
0x1bc: {  	[bflag:$0x0] =	sbarrier.arrive $0xFFFF  }
0x1bd: {  	[bflag:$0x0] =	sbarrier.arrive $0xFFFF  }
0x1be: {  	[bflag:$0x0] =	sbarrier.arrive $0xFFFF;
	_ =	sdelay $0x1  }
.LBB2_33:
0x1bf: {  	[bflag:$0x0] =	sbarrier.arrive $0xFFFF  }
0x1c0: {  	s17 =	sld [smem:$0x7F5];
	_ =	sdelay $0x2  }
0x1c1: {  	p6 =	seq.s32 s17, $0x1  }
.Ltmp23:
0x1c2: {  	_ = 	snop;
	(pc) =	sbr.rel @p6 .LBB2_37-.Ltmp23, $2  }
0x1c3: {  	_ =	sdelay $0x2  }
0x1c4: {  	s16 =	simm.s32 $0x0  }
0x1c5: {  	s17 =	sshra.s32 s16, $0x2  }
0x1c6: {  	s18 =	sadd.s32 $0xF800, s17;
	s17 =	sadd.s32 $0xC400, s17  }
0x1c7: {  	[spmem:s1] =	stream.indirect.scatter [tilespmem:s18], [sflag:$0x1], $0x1, s17, s14, $0xb8;
	[tilespmem:$0x14A10] =	vst v63  }
0x1c8: {  	s16 =	sadd.s32 $0x200, s16;
	_ =	swait.ge [sflag:s10], $0x80  }
.LBB2_35:
0x1c9: {  	s17 =	sshra.s32 s16, $0x2  }
0x1ca: {  	[sflag:s10] =	ssyncset.done $0x0;
	p6 =	sne.s32 s16, $0xC200;
	s18 =	sadd.s32 $0xF800, s17  }
.Ltmp24:
0x1cb: {  	s17 =	sadd.s32 $0xC400, s17;
	[sflag:s10] =	ssyncadd.s32 $0xFFFFFF80;
	(pc) =	sbr.rel @p6 .LBB2_35-.Ltmp24, $3  }
0x1cc: {  	[spmem:s1] =	stream.indirect.scatter [tilespmem:s18], [sflag:$0x1], $0x1, s17, s14, $0xb8;
	[tilespmem:$0x14A10] =	vst v63  }
0x1cd: {  	s16 =	sadd.s32 $0x200, s16;
	_ =	sdelay $0x1  }
0x1ce: {  	_ =	swait.ge [sflag:s10], $0x80  }
0x1cf: {  	[sflag:s10] =	ssyncset.done $0x0  }
0x1d0: {  	[sflag:s10] =	ssyncadd.s32 $0xFFFFFF80  }
.Ltmp25:
0x1d1: {  	[bflag:$0x0] =	sbarrier.arrive $0xFFFF;
	(pc) =	sbr.rel .LBB2_53-.Ltmp25, $3  }
0x1d2: {  	[bflag:$0x0] =	sbarrier.arrive $0xFFFF  }
0x1d3: {  	[bflag:$0x0] =	sbarrier.arrive $0xFFFF  }
0x1d4: {  	[bflag:$0x0] =	sbarrier.arrive $0xFFFF;
	_ =	sdelay $0x1  }
.LBB2_37:
0x1d5: {  	[bflag:$0x0] =	sbarrier.arrive $0xFFFF  }
0x1d6: {  	s17 =	sld [smem:$0x7F6];
	_ =	sdelay $0x2  }
0x1d7: {  	p6 =	seq.s32 s17, $0x1  }
.Ltmp26:
0x1d8: {  	_ = 	snop;
	(pc) =	sbr.rel @p6 .LBB2_41-.Ltmp26, $2  }
0x1d9: {  	_ =	sdelay $0x2  }
0x1da: {  	s16 =	simm.s32 $0x0  }
0x1db: {  	s17 =	sshra.s32 s16, $0x2  }
0x1dc: {  	s18 =	sadd.s32 $0xF800, s17;
	s17 =	sadd.s32 $0xC400, s17  }
0x1dd: {  	[spmem:s1] =	stream.indirect.scatter [tilespmem:s18], [sflag:$0x1], $0x1, s17, s14, $0xb8;
	[tilespmem:$0x14A10] =	vst v63  }
0x1de: {  	s16 =	sadd.s32 $0x200, s16;
	_ =	swait.ge [sflag:s10], $0x80  }
.LBB2_39:
0x1df: {  	s17 =	sshra.s32 s16, $0x2  }
0x1e0: {  	[sflag:s10] =	ssyncset.done $0x0;
	p6 =	sne.s32 s16, $0xC200;
	s18 =	sadd.s32 $0xF800, s17  }
.Ltmp27:
0x1e1: {  	s17 =	sadd.s32 $0xC400, s17;
	[sflag:s10] =	ssyncadd.s32 $0xFFFFFF80;
	(pc) =	sbr.rel @p6 .LBB2_39-.Ltmp27, $3  }
0x1e2: {  	[spmem:s1] =	stream.indirect.scatter [tilespmem:s18], [sflag:$0x1], $0x1, s17, s14, $0xb8;
	[tilespmem:$0x14A10] =	vst v63  }
0x1e3: {  	s16 =	sadd.s32 $0x200, s16;
	_ =	sdelay $0x1  }
0x1e4: {  	_ =	swait.ge [sflag:s10], $0x80  }
0x1e5: {  	[sflag:s10] =	ssyncset.done $0x0  }
.Ltmp28:
0x1e6: {  	[sflag:s10] =	ssyncadd.s32 $0xFFFFFF80;
	(pc) =	sbr.rel .LBB2_53-.Ltmp28, $3  }
0x1e7: {  	[bflag:$0x0] =	sbarrier.arrive $0xFFFF  }
0x1e8: {  	[bflag:$0x0] =	sbarrier.arrive $0xFFFF  }
0x1e9: {  	[bflag:$0x0] =	sbarrier.arrive $0xFFFF;
	_ =	sdelay $0x1  }
.LBB2_41:
0x1ea: {  	[bflag:$0x0] =	sbarrier.arrive $0xFFFF  }
0x1eb: {  	s17 =	sld [smem:$0x7F7];
	_ =	sdelay $0x2  }
0x1ec: {  	p6 =	seq.s32 s17, $0x1  }
.Ltmp29:
0x1ed: {  	_ = 	snop;
	(pc) =	sbr.rel @p6 .LBB2_45-.Ltmp29, $2  }
0x1ee: {  	_ =	sdelay $0x2  }
0x1ef: {  	s16 =	simm.s32 $0x0  }
0x1f0: {  	s17 =	sshra.s32 s16, $0x2  }
0x1f1: {  	s18 =	sadd.s32 $0xF800, s17;
	s17 =	sadd.s32 $0xC400, s17  }
0x1f2: {  	[spmem:s1] =	stream.indirect.scatter [tilespmem:s18], [sflag:$0x1], $0x1, s17, s14, $0xb8;
	[tilespmem:$0x14A10] =	vst v63  }
0x1f3: {  	s16 =	sadd.s32 $0x200, s16;
	_ =	swait.ge [sflag:s10], $0x80  }
.LBB2_43:
0x1f4: {  	s17 =	sshra.s32 s16, $0x2  }
0x1f5: {  	[sflag:s10] =	ssyncset.done $0x0;
	p6 =	sne.s32 s16, $0xC200;
	s18 =	sadd.s32 $0xF800, s17  }
.Ltmp30:
0x1f6: {  	s17 =	sadd.s32 $0xC400, s17;
	[sflag:s10] =	ssyncadd.s32 $0xFFFFFF80;
	(pc) =	sbr.rel @p6 .LBB2_43-.Ltmp30, $3  }
0x1f7: {  	[spmem:s1] =	stream.indirect.scatter [tilespmem:s18], [sflag:$0x1], $0x1, s17, s14, $0xb8;
	[tilespmem:$0x14A10] =	vst v63  }
0x1f8: {  	s16 =	sadd.s32 $0x200, s16;
	_ =	sdelay $0x1  }
0x1f9: {  	_ =	swait.ge [sflag:s10], $0x80  }
.Ltmp31:
0x1fa: {  	[sflag:s10] =	ssyncset.done $0x0;
	(pc) =	sbr.rel .LBB2_53-.Ltmp31, $3  }
0x1fb: {  	[sflag:s10] =	ssyncadd.s32 $0xFFFFFF80  }
0x1fc: {  	[bflag:$0x0] =	sbarrier.arrive $0xFFFF  }
0x1fd: {  	[bflag:$0x0] =	sbarrier.arrive $0xFFFF;
	_ =	sdelay $0x1  }
.LBB2_45:
0x1fe: {  	[bflag:$0x0] =	sbarrier.arrive $0xFFFF  }
0x1ff: {  	s17 =	sld [smem:$0x7F8];
	_ =	sdelay $0x2  }
0x200: {  	p6 =	seq.s32 s17, $0x1  }
.Ltmp32:
0x201: {  	_ = 	snop;
	(pc) =	sbr.rel @p6 .LBB2_49-.Ltmp32, $2  }
0x202: {  	_ =	sdelay $0x2  }
0x203: {  	s16 =	simm.s32 $0x0  }
0x204: {  	s17 =	sshra.s32 s16, $0x2  }
0x205: {  	s18 =	sadd.s32 $0xF800, s17;
	s17 =	sadd.s32 $0xC400, s17  }
0x206: {  	[spmem:s1] =	stream.indirect.scatter [tilespmem:s18], [sflag:$0x1], $0x1, s17, s14, $0xb8;
	[tilespmem:$0x14A10] =	vst v63  }
0x207: {  	s16 =	sadd.s32 $0x200, s16;
	_ =	swait.ge [sflag:s10], $0x80  }
.LBB2_47:
0x208: {  	s17 =	sshra.s32 s16, $0x2  }
0x209: {  	[sflag:s10] =	ssyncset.done $0x0;
	p6 =	sne.s32 s16, $0xC200;
	s18 =	sadd.s32 $0xF800, s17  }
.Ltmp33:
0x20a: {  	s17 =	sadd.s32 $0xC400, s17;
	[sflag:s10] =	ssyncadd.s32 $0xFFFFFF80;
	(pc) =	sbr.rel @p6 .LBB2_47-.Ltmp33, $3  }
0x20b: {  	[spmem:s1] =	stream.indirect.scatter [tilespmem:s18], [sflag:$0x1], $0x1, s17, s14, $0xb8;
	[tilespmem:$0x14A10] =	vst v63  }
0x20c: {  	s16 =	sadd.s32 $0x200, s16;
	_ =	sdelay $0x1  }
0x20d: {  	_ =	swait.ge [sflag:s10], $0x80  }
.Ltmp34:
0x20e: {  	(pc) =	sbr.rel .LBB2_53-.Ltmp34, $3  }
0x20f: {  	[sflag:s10] =	ssyncset.done $0x0  }
0x210: {  	[sflag:s10] =	ssyncadd.s32 $0xFFFFFF80  }
0x211: {  	[bflag:$0x0] =	sbarrier.arrive $0xFFFF;
	_ =	sdelay $0x1  }
.LBB2_49:
0x212: {  	[bflag:$0x0] =	sbarrier.arrive $0xFFFF  }
0x213: {  	s17 =	sld [smem:$0x7F9];
	_ =	sdelay $0x2  }
0x214: {  	p6 =	seq.s32 s17, $0x1  }
.Ltmp35:
0x215: {  	_ = 	snop;
	(pc) =	sbr.rel @p6 .LBB2_55-.Ltmp35, $2  }
0x216: {  	_ =	sdelay $0x2  }
0x217: {  	s16 =	simm.s32 $0x0  }
0x218: {  	s17 =	sshra.s32 s16, $0x2  }
0x219: {  	s18 =	sadd.s32 $0xF800, s17;
	s17 =	sadd.s32 $0xC400, s17  }
0x21a: {  	[spmem:s1] =	stream.indirect.scatter [tilespmem:s18], [sflag:$0x1], $0x1, s17, s14, $0xb8;
	[tilespmem:$0x14A10] =	vst v63  }
0x21b: {  	s16 =	sadd.s32 $0x200, s16;
	_ =	swait.ge [sflag:s10], $0x80  }
.LBB2_51:
0x21c: {  	s17 =	sshra.s32 s16, $0x2  }
0x21d: {  	[sflag:s10] =	ssyncset.done $0x0;
	p6 =	sne.s32 s16, $0xC200;
	s18 =	sadd.s32 $0xF800, s17  }
.Ltmp36:
0x21e: {  	s17 =	sadd.s32 $0xC400, s17;
	[sflag:s10] =	ssyncadd.s32 $0xFFFFFF80;
	(pc) =	sbr.rel @p6 .LBB2_51-.Ltmp36, $3  }
0x21f: {  	[spmem:s1] =	stream.indirect.scatter [tilespmem:s18], [sflag:$0x1], $0x1, s17, s14, $0xb8;
	[tilespmem:$0x14A10] =	vst v63  }
0x220: {  	s16 =	sadd.s32 $0x200, s16;
	_ =	sdelay $0x1  }
0x221: {  	_ =	swait.ge [sflag:s10], $0x80  }
0x222: {  	[sflag:s10] =	ssyncset.done $0x0  }
0x223: {  	[sflag:s10] =	ssyncadd.s32 $0xFFFFFF80  }
.LBB2_53:
0x224: {  	[bflag:$0x0] =	sbarrier.arrive $0xFFFF  }
.LBB2_54:
0x225: {  	[bflag:$0x0] =	sbarrier.arrive $0xFFFF  }
0x226: {  	[bflag:$0x0] =	sbarrier.arrive $0xFFFF  }
0x227: {  	s16 =	simm.s32 @!p0 $0x1;
	s17 =	simm.s32 @!p0 $0x20;
	[bflag:$0x0] =	sbarrier.arrive $0xFFFF  }
0x228: {  	s18 =	simm.s32 @!p0 $0x10;
	s19 =	simm.s32 @!p0 $0x1C01;
	[bflag:$0x0] =	sbarrier.arrive $0xFFFF  }
0x229: {  	[hbm:s8@s17], [sflag:s19] =	dma.strided @!p0 [spmem:s15@s18], $0x3C00, s16, $0x10   }
0x22a: {  	_ =	swait.ge @!p0 [sflag:s16], $0x3C00  }
0x22b: {  	[sflag:s16] =	ssyncset.done @!p0 $0x0  }
0x22c: {  	[sflag:s16] =	ssyncadd.s32 @!p0 $0xFFFFC400  }
.LBB2_72:
0x22d: {  	s2 =	sadd.s32 $0x1, s2  }
0x22e: {  	p6 =	sne.s32 s2, s9  }
.Ltmp37:
0x22f: {  	_ = 	snop;
	(pc) =	sbr.rel @p6 .LBB2_1-.Ltmp37, $4  }
.Ltmp38:
0x230: {  	_ = 	snop;
	(pc) =	sbr.rel @!p6 .LBB2_73-.Ltmp38, $4  }
0x231: {  	_ = 	snop  }
0x232: {  	_ = 	snop  }
0x233: {  	_ = 	snop  }
0x234: {  	_ = 	snop  }
.LBB2_55:
0x235: {  	[bflag:$0x0] =	sbarrier.arrive $0xFFFF  }
0x236: {  	s17 =	sld [smem:$0x7FA];
	_ =	sdelay $0x2  }
0x237: {  	p6 =	seq.s32 s17, $0x1  }
.Ltmp39:
0x238: {  	_ = 	snop;
	(pc) =	sbr.rel @p6 .LBB2_59-.Ltmp39, $2  }
0x239: {  	_ =	sdelay $0x2  }
0x23a: {  	s16 =	simm.s32 $0x0  }
0x23b: {  	s17 =	sshra.s32 s16, $0x2  }
0x23c: {  	s18 =	sadd.s32 $0xF800, s17;
	s17 =	sadd.s32 $0xC400, s17  }
0x23d: {  	[spmem:s1] =	stream.indirect.scatter [tilespmem:s18], [sflag:$0x1], $0x1, s17, s14, $0xb8;
	[tilespmem:$0x14A10] =	vst v63  }
0x23e: {  	s16 =	sadd.s32 $0x200, s16;
	_ =	swait.ge [sflag:s10], $0x80  }
.LBB2_57:
0x23f: {  	s17 =	sshra.s32 s16, $0x2  }
0x240: {  	[sflag:s10] =	ssyncset.done $0x0;
	p6 =	seq.s32 s16, $0xC200;
	s18 =	sadd.s32 $0xF800, s17  }
.Ltmp40:
0x241: {  	s17 =	sadd.s32 $0xC400, s17;
	[sflag:s10] =	ssyncadd.s32 $0xFFFFFF80;
	(pc) =	sbr.rel @!p6 .LBB2_57-.Ltmp40, $3  }
0x242: {  	[spmem:s1] =	stream.indirect.scatter [tilespmem:s18], [sflag:$0x1], $0x1, s17, s14, $0xb8;
	[tilespmem:$0x14A10] =	vst v63  }
0x243: {  	s16 =	sadd.s32 $0x200, s16;
	_ =	sdelay $0x1  }
0x244: {  	_ =	swait.ge [sflag:s10], $0x80  }
.Ltmp41:
0x245: {  	(pc) =	sbr.rel .LBB2_54-.Ltmp41, $3  }
0x246: {  	_ =	sdelay $0x1  }
0x247: {  	[sflag:s10] =	ssyncset.done $0x0  }
0x248: {  	[sflag:s10] =	ssyncadd.s32 $0xFFFFFF80  }
.LBB2_59:
0x249: {  	[bflag:$0x0] =	sbarrier.arrive $0xFFFF  }
0x24a: {  	s17 =	sld [smem:$0x7FB];
	_ =	sdelay $0x2  }
0x24b: {  	p6 =	seq.s32 s17, $0x1  }
.Ltmp42:
0x24c: {  	_ = 	snop;
	(pc) =	sbr.rel @p6 .LBB2_63-.Ltmp42, $2  }
0x24d: {  	_ =	sdelay $0x2  }
0x24e: {  	s16 =	simm.s32 $0x0  }
0x24f: {  	s17 =	sshra.s32 s16, $0x2  }
0x250: {  	s18 =	sadd.s32 $0xF800, s17;
	s17 =	sadd.s32 $0xC400, s17  }
0x251: {  	[spmem:s1] =	stream.indirect.scatter [tilespmem:s18], [sflag:$0x1], $0x1, s17, s14, $0xb8;
	[tilespmem:$0x14A10] =	vst v63  }
0x252: {  	s16 =	sadd.s32 $0x200, s16;
	_ =	swait.ge [sflag:s10], $0x80  }
.LBB2_61:
0x253: {  	s17 =	sshra.s32 s16, $0x2  }
0x254: {  	[sflag:s10] =	ssyncset.done $0x0;
	p6 =	sne.s32 s16, $0xC200;
	s18 =	sadd.s32 $0xF800, s17  }
.Ltmp43:
0x255: {  	s17 =	sadd.s32 $0xC400, s17;
	[sflag:s10] =	ssyncadd.s32 $0xFFFFFF80;
	(pc) =	sbr.rel @p6 .LBB2_61-.Ltmp43, $3  }
0x256: {  	[spmem:s1] =	stream.indirect.scatter [tilespmem:s18], [sflag:$0x1], $0x1, s17, s14, $0xb8;
	[tilespmem:$0x14A10] =	vst v63  }
0x257: {  	s16 =	sadd.s32 $0x200, s16;
	_ =	sdelay $0x1  }
0x258: {  	_ =	swait.ge [sflag:s10], $0x80  }
0x259: {  	[sflag:s10] =	ssyncset.done $0x0  }
.Ltmp44:
0x25a: {  	[sflag:s10] =	ssyncadd.s32 $0xFFFFFF80;
	(pc) =	sbr.rel .LBB2_72-.Ltmp44, $3  }
0x25b: {  	[bflag:$0x0] =	sbarrier.arrive $0xFFFF  }
0x25c: {  	[bflag:$0x0] =	sbarrier.arrive $0xFFFF  }
0x25d: {  	[bflag:$0x0] =	sbarrier.arrive $0xFFFF;
	_ =	sdelay $0x1  }
.LBB2_63:
0x25e: {  	[bflag:$0x0] =	sbarrier.arrive $0xFFFF  }
0x25f: {  	s17 =	sld [smem:$0x7FC];
	_ =	sdelay $0x2  }
0x260: {  	p6 =	seq.s32 s17, $0x1  }
.Ltmp45:
0x261: {  	_ = 	snop;
	(pc) =	sbr.rel @p6 .LBB2_67-.Ltmp45, $2  }
0x262: {  	_ =	sdelay $0x2  }
0x263: {  	s16 =	simm.s32 $0x0  }
0x264: {  	s17 =	sshra.s32 s16, $0x2  }
0x265: {  	s18 =	sadd.s32 $0xF800, s17;
	s17 =	sadd.s32 $0xC400, s17  }
0x266: {  	[spmem:s1] =	stream.indirect.scatter [tilespmem:s18], [sflag:$0x1], $0x1, s17, s14, $0xb8;
	[tilespmem:$0x14A10] =	vst v63  }
0x267: {  	s16 =	sadd.s32 $0x200, s16;
	_ =	swait.ge [sflag:s10], $0x80  }
.LBB2_65:
0x268: {  	s17 =	sshra.s32 s16, $0x2  }
0x269: {  	[sflag:s10] =	ssyncset.done $0x0;
	p6 =	sne.s32 s16, $0xC200;
	s18 =	sadd.s32 $0xF800, s17  }
.Ltmp46:
0x26a: {  	s17 =	sadd.s32 $0xC400, s17;
	[sflag:s10] =	ssyncadd.s32 $0xFFFFFF80;
	(pc) =	sbr.rel @p6 .LBB2_65-.Ltmp46, $3  }
0x26b: {  	[spmem:s1] =	stream.indirect.scatter [tilespmem:s18], [sflag:$0x1], $0x1, s17, s14, $0xb8;
	[tilespmem:$0x14A10] =	vst v63  }
0x26c: {  	s16 =	sadd.s32 $0x200, s16;
	_ =	sdelay $0x1  }
0x26d: {  	_ =	swait.ge [sflag:s10], $0x80  }
.Ltmp47:
0x26e: {  	[sflag:s10] =	ssyncset.done $0x0;
	(pc) =	sbr.rel .LBB2_72-.Ltmp47, $3  }
0x26f: {  	[sflag:s10] =	ssyncadd.s32 $0xFFFFFF80  }
0x270: {  	[bflag:$0x0] =	sbarrier.arrive $0xFFFF  }
0x271: {  	[bflag:$0x0] =	sbarrier.arrive $0xFFFF;
	_ =	sdelay $0x1  }
.LBB2_67:
0x272: {  	[bflag:$0x0] =	sbarrier.arrive $0xFFFF  }
0x273: {  	s17 =	sld [smem:$0x7FD];
	_ =	sdelay $0x2  }
0x274: {  	p6 =	seq.s32 s17, $0x1  }
.Ltmp48:
0x275: {  	_ = 	snop;
	(pc) =	sbr.rel @p6 .LBB2_71-.Ltmp48, $2  }
0x276: {  	_ =	sdelay $0x2  }
0x277: {  	s16 =	simm.s32 $0x0  }
0x278: {  	s17 =	sshra.s32 s16, $0x2  }
0x279: {  	s18 =	sadd.s32 $0xF800, s17;
	s17 =	sadd.s32 $0xC400, s17  }
0x27a: {  	[spmem:s1] =	stream.indirect.scatter [tilespmem:s18], [sflag:$0x1], $0x1, s17, s14, $0xb8;
	[tilespmem:$0x14A10] =	vst v63  }
0x27b: {  	s16 =	sadd.s32 $0x200, s16;
	_ =	swait.ge [sflag:s10], $0x80  }
.LBB2_69:
0x27c: {  	s17 =	sshra.s32 s16, $0x2  }
0x27d: {  	[sflag:s10] =	ssyncset.done $0x0;
	p6 =	sne.s32 s16, $0xC200;
	s18 =	sadd.s32 $0xF800, s17  }
.Ltmp49:
0x27e: {  	s17 =	sadd.s32 $0xC400, s17;
	[sflag:s10] =	ssyncadd.s32 $0xFFFFFF80;
	(pc) =	sbr.rel @p6 .LBB2_69-.Ltmp49, $3  }
0x27f: {  	[spmem:s1] =	stream.indirect.scatter [tilespmem:s18], [sflag:$0x1], $0x1, s17, s14, $0xb8;
	[tilespmem:$0x14A10] =	vst v63  }
0x280: {  	s16 =	sadd.s32 $0x200, s16;
	_ =	sdelay $0x1  }
0x281: {  	_ =	swait.ge [sflag:s10], $0x80  }
0x282: {  	[sflag:s10] =	ssyncset.done $0x0  }
0x283: {  	[sflag:s10] =	ssyncadd.s32 $0xFFFFFF80  }
.LBB2_71:
.Ltmp50:
0x284: {  	(pc) =	sbr.rel .LBB2_72-.Ltmp50, $2  }
0x285: {  	_ =	sdelay $0x1  }
0x286: {  	[bflag:$0x0] =	sbarrier.arrive $0xFFFF;
	_ =	sdelay $0x1  }
.LBB2_73:
0x287: {  	_ =	sfence.sel $0x180000  }
0x288: {  	[bflag:$0x0] =	sbarrier.arrive $0xFFFF  }
0x289: {  	_ =	strace $0x90000047  }
0x28a: {  	s0 =	sadd.s32 @!p0 $0x100000, s0;
	[bflag:$0x2] =	sbarrier.arrive $0xFFFF  }
0x28b: {  	[sflag:s0] =	ssyncadd.tile.s32 @!p0 $0x1;
	_ =	shalt  }
.Lfunc_end2:
_tile_overlayer_lowered:
.L_overlay_start_2:
0x28c: {  	(tag) =	ssettag $0x2  }
0x28d: {  	s0 =	rddreg [dreg:$0x0];
	s2 =	stileid.u32  }
0x28e: {  	s1 =	rddreg [dreg:$0x1];
	p0 =	sne.s32 s2, $0x0  }
0x28f: {  	s3 =	rddreg [dreg:$0x2];
	[bflag:$0x3] =	sbarrier.arrive $0xFFFF;
	s2 =	simm.s32 @!p0 $0x1C01  }
0x290: {  	[timem:s3], [sflag:s2] =	dma.local @!p0 [hbm:s0], s1  }
0x291: {  	s0 =	simm.s32 @!p0 $0x1  }
0x292: {  	_ =	swait.ge @!p0 [sflag:s0], s1  }
0x293: {  	s1 =	ssub.s32 @!p0 $0x0, s1;
	[sflag:s0] =	ssyncset.done @!p0 $0x0  }
0x294: {  	[sflag:s0] =	ssyncadd.s32 @!p0 s1  }
0x295: {  	[bflag:$0x3] =	sbarrier.arrive $0xFFFF  }
0x296: {  	_ =	shalt  }

</sc_bundles>
